<compile_context>
chip_gen: v7x
topology: tpu7x:2x2x1
jax: 0.10.2.dev20260603
libtpu: 0.0.44.dev20260713+nightly
codegen_flags: <defaults>
</compile_context>

<pallas_src>
import functools

import jax
import jax.numpy as jnp
from jax import lax
from jax.experimental import pallas as pl
from jax.experimental.pallas import tpu as pltpu
from jax.experimental.pallas import tpu_sc as plsc

_NUM_WORKERS = 32
_CHUNK = 160
_NBUF = 4
_AHEAD = 2


@functools.lru_cache(maxsize=None)
def _make_kernel(B, D, chunk):
    b_per_w = B // _NUM_WORKERS
    n_chunks = b_per_w // chunk
    n_outer = n_chunks // _NBUF
    mesh = plsc.VectorSubcoreMesh(core_axis_name="c", subcore_axis_name="s")

    @functools.partial(
        pl.kernel,
        mesh=mesh,
        out_type=(
            jax.ShapeDtypeStruct((B, D), jnp.float32),
            jax.ShapeDtypeStruct((B, D), jnp.float32),
        ),
        scratch_types=[
            pltpu.VMEM((b_per_w,), jnp.int32),
            pltpu.VMEM((_NBUF, chunk, D), jnp.float32),
            pltpu.VMEM((_NBUF, chunk, D), jnp.float32),
            pltpu.SemaphoreType.DMA((_NBUF,)),
            pltpu.SemaphoreType.DMA((_NBUF,)),
        ],
        compiler_params=pltpu.CompilerParams(use_tc_tiling_on_sc=False),
    )
    def gather_kernel(amp_hbm, phase_hbm, idx_hbm, amp_out, phase_out,
                      idx_v, amp_v, phase_v, gsem, wsem):
        wid = lax.axis_index("s") * 2 + lax.axis_index("c")
        base0 = wid * b_per_w
        pltpu.sync_copy(idx_hbm.at[pl.ds(base0, b_per_w)], idx_v)

        def gather_descs(r, b):
            idx_slice = idx_v.at[pl.ds(r * chunk, chunk)]
            return (
                pltpu.make_async_copy(amp_hbm.at[idx_slice], amp_v.at[b],
                                      gsem.at[b]),
                pltpu.make_async_copy(phase_hbm.at[idx_slice], phase_v.at[b],
                                      gsem.at[b]),
            )

        def write_descs(r, b):
            out_base = base0 + r * chunk
            return (
                pltpu.make_async_copy(amp_v.at[b],
                                      amp_out.at[pl.ds(out_base, chunk)],
                                      wsem.at[b]),
                pltpu.make_async_copy(phase_v.at[b],
                                      phase_out.at[pl.ds(out_base, chunk)],
                                      wsem.at[b]),
            )

        def fire(descs):
            for d in descs:
                d.start()

        def drain(descs):
            for d in descs:
                d.wait()

        for r0 in range(_AHEAD):
            fire(gather_descs(r0, r0))

        def body(g, carry):
            for b in range(_NBUF):
                i = g * _NBUF + b
                fb = (b + _AHEAD) % _NBUF
                fi = i + _AHEAD

                @pl.when(fi < n_chunks)
                def _():
                    @pl.when(fi >= _NBUF)
                    def _():
                        drain(write_descs(fi - _NBUF, fb))
                    fire(gather_descs(fi, fb))

                drain(gather_descs(i, b))
                fire(write_descs(i, b))
            return carry

        lax.fori_loop(0, n_outer, body, 0)

        for b in range(_NBUF):
            drain(write_descs(n_chunks - _NBUF + b, b))

    return gather_kernel


@functools.lru_cache(maxsize=None)
def _make_linearize(V, D, bs):
    def body(a_ref, o_ref):
        x_even = a_ref[pl.Slice(0, bs // 2, 2), :]
        x_odd = a_ref[pl.Slice(1, bs // 2, 2), :]
        o_ref[...] = jnp.concatenate([x_even, x_odd], axis=1)

    return pl.pallas_call(
        body,
        grid=(V // bs,),
        in_specs=[pl.BlockSpec((bs, D), lambda i: (i, 0))],
        out_specs=pl.BlockSpec((bs // 2, 2 * D), lambda i: (i, 0)),
        out_shape=jax.ShapeDtypeStruct((V // 2, 2 * D), jnp.float32),
    )


def kernel(amplitude_table, phase_table, indices):
    batch, hist = indices.shape
    v, d = amplitude_table.shape
    b_total = batch * hist
    idx_flat = indices.reshape(b_total).astype(jnp.int32)
    lin = _make_linearize(v, d, 2000)
    amp_lin = lin(amplitude_table).reshape(v, d)
    ph_lin = lin(phase_table).reshape(v, d)
    k = _make_kernel(b_total, d, _CHUNK)
    amp, ph = k(amp_lin, ph_lin, idx_flat)
    return amp.reshape(batch, hist, d), ph.reshape(batch, hist, d)

# --- scband reference (transcript-rebuilt; emitter-appended) ---
"""Pipeline reference for scband-complex-embedding-50534585205520 (READ-ONLY COPY).

The authoritative reference and input builder live on the scoring server;
editing this copy changes nothing except your own understanding.
"""

import math
import jax, jax.numpy as jnp
import numpy as np

VOCAB = 1000000
EMBED_DIM = 64
BATCH = 16384
HIST = 50

def setup_inputs(seed: int = 0) -> dict:
    key = jax.random.key(seed)
    k_emb, k_idx = jax.random.split(key)
    embedding_matrix = jax.random.normal(k_emb, (VOCAB, EMBED_DIM), dtype=jnp.float32)
    sign_matrix = jnp.sign(embedding_matrix)
    amplitude_table = sign_matrix * embedding_matrix
    phase_table = math.pi * (1.0 - sign_matrix) / 2.0
    indices = jax.random.randint(k_idx, (BATCH, HIST), 0, VOCAB, dtype=jnp.int64 if jax.config.jax_enable_x64 else jnp.int32)
    return {
        "amplitude_table": amplitude_table,
        "phase_table": phase_table,
        "indices": indices,
    }

def reference(amplitude_table, phase_table, indices):
    # ComplexEmbedding.forward: gather from the amplitude and phase tables
    amplitude_embed = jnp.take(amplitude_table, indices, axis=0)
    phase_embed = jnp.take(phase_table, indices, axis=0)
    return (amplitude_embed, phase_embed)

if __name__ == "__main__":
    import jax
    _d = setup_inputs()
    print(jax.jit(kernel)(*tuple(_d.values())))

</pallas_src>

<mosaic_0001>
#map = affine_map<(d0, d1) -> (0, 0)>
#map1 = affine_map<(d0, d1) -> (0)>
module attributes {stable_mosaic.version = 14 : i64} {
  func.func @gather_kernel(%arg0: i32, %arg1: i32, %arg2: memref<1000000x64xf32, #tpu.memory_space<hbm>>, %arg3: memref<1000000x64xf32, #tpu.memory_space<hbm>>, %arg4: memref<819200xi32, #tpu.memory_space<hbm>>, %arg5: memref<819200x64xf32, #tpu.memory_space<hbm>>, %arg6: memref<819200x64xf32, #tpu.memory_space<hbm>>, %arg7: memref<25600xi32, #tpu.memory_space<vmem>>, %arg8: memref<4x160x64xf32, #tpu.memory_space<vmem>>, %arg9: memref<4x160x64xf32, #tpu.memory_space<vmem>>, %arg10: memref<4x!tpu.dma_semaphore, #tpu.memory_space<semaphore_mem>>, %arg11: memref<4x!tpu.dma_semaphore, #tpu.memory_space<semaphore_mem>>) attributes {dimension_semantics = [#tpu.dimension_semantics<core_parallel>, #tpu.dimension_semantics<subcore_parallel>], iteration_bounds = array<i64: 2, 16>, scalar_prefetch = 0 : i64, scratch_operands = 5 : i64, tpu.core_type = #tpu.core_type<sc_vector_subcore>, window_params = [{transform_indices = #map}, {transform_indices = #map}, {transform_indices = #map1}, {transform_indices = #map}, {transform_indices = #map}]} {
    %mul3A = arith.constant 2 : i32
    %mul3A_0 = arith.muli %arg1, %mul3A : i32
    %add3A = arith.addi %mul3A_0, %arg0 : i32
    %mul3A_1 = arith.constant 25600 : i32
    %mul3A_2 = arith.muli %add3A, %mul3A_1 : i32
    "tpu.region"() ({
      %run_scoped3A = tpu.sem_alloc : memref<!tpu.dma_semaphore, #tpu.memory_space<semaphore_mem>>
      %dma_start3A_194 = tpu.memref_slice %arg4[%mul3A_2] : memref<819200xi32, #tpu.memory_space<hbm>> -> memref<25600xi32, #tpu.memory_space<hbm>>
      %dma_start3A_195 = tpu.memref_slice %arg4[%mul3A_2] : memref<819200xi32, #tpu.memory_space<hbm>> -> memref<25600xi32, #tpu.memory_space<hbm>>
      tpu.enqueue_dma source(%dma_start3A_195 : memref<25600xi32, #tpu.memory_space<hbm>>) target(%arg7 : memref<25600xi32, #tpu.memory_space<vmem>>) target_semaphore(%run_scoped3A : memref<!tpu.dma_semaphore, #tpu.memory_space<semaphore_mem>>)
      %dma_wait3A_196 = tpu.memref_slice %arg4[%mul3A_2] : memref<819200xi32, #tpu.memory_space<hbm>> -> memref<25600xi32, #tpu.memory_space<hbm>>
      %dma_wait3A_197 = tpu.memref_slice %arg4[%mul3A_2] : memref<819200xi32, #tpu.memory_space<hbm>> -> memref<25600xi32, #tpu.memory_space<hbm>>
      tpu.wait_dma2 semaphore(%run_scoped3A : memref<!tpu.dma_semaphore, #tpu.memory_space<semaphore_mem>>) src(%dma_wait3A_197 : memref<25600xi32, #tpu.memory_space<hbm>>) dst(%arg7 : memref<25600xi32, #tpu.memory_space<vmem>>)
      tpu.yield
    }) : () -> ()
    %dma_start3A = arith.constant 0 : i32
    %dma_start3A_3 = arith.constant 0 : i32
    %dma_start3A_4 = arith.constant 0 : i32
    %dma_start3A_5 = arith.constant 0 : i32
    %dma_start3A_6 = tpu.memref_slice %arg8[%dma_start3A, %dma_start3A_4, %dma_start3A_5] : memref<4x160x64xf32, #tpu.memory_space<vmem>> -> memref<1x160x64xf32, #tpu.memory_space<vmem>>
    %dma_start3A_7 = tpu.memref_squeeze %dma_start3A_6 : memref<1x160x64xf32, #tpu.memory_space<vmem>> -> memref<160x64xf32, #tpu.memory_space<vmem>>
    %dma_start3A_8 = arith.constant 0 : i32
    %dma_start3A_9 = tpu.memref_slice %arg7[%dma_start3A_8] : memref<25600xi32, #tpu.memory_space<vmem>> -> memref<160xi32, #tpu.memory_space<vmem>>
    %dma_start3A_10 = arith.constant 0 : i32
    %dma_start3A_11 = arith.constant 0 : i32
    %dma_start3A_12 = tpu.memref_slice %arg2[%dma_start3A_10, %dma_start3A_11] : memref<1000000x64xf32, #tpu.memory_space<hbm>> -> memref<1000000x64xf32, #tpu.memory_space<hbm>>
    %dma_start3A_13 = tpu.memref_slice %arg10[%dma_start3A_3] : memref<4x!tpu.dma_semaphore, #tpu.memory_space<semaphore_mem>> -> memref<1x!tpu.dma_semaphore, #tpu.memory_space<semaphore_mem>>
    %dma_start3A_14 = tpu.memref_squeeze %dma_start3A_13 : memref<1x!tpu.dma_semaphore, #tpu.memory_space<semaphore_mem>> -> memref<!tpu.dma_semaphore, #tpu.memory_space<semaphore_mem>>
    tpu.enqueue_indirect_dma source(%dma_start3A_12 : memref<1000000x64xf32, #tpu.memory_space<hbm>>) target(%dma_start3A_7 : memref<160x64xf32, #tpu.memory_space<vmem>>) offsets(%dma_start3A_9 : memref<160xi32, #tpu.memory_space<vmem>>) semaphore(%dma_start3A_14 : memref<!tpu.dma_semaphore, #tpu.memory_space<semaphore_mem>>)
    %dma_start3A_15 = arith.constant 0 : i32
    %dma_start3A_16 = arith.constant 0 : i32
    %dma_start3A_17 = arith.constant 0 : i32
    %dma_start3A_18 = arith.constant 0 : i32
    %dma_start3A_19 = tpu.memref_slice %arg9[%dma_start3A_15, %dma_start3A_17, %dma_start3A_18] : memref<4x160x64xf32, #tpu.memory_space<vmem>> -> memref<1x160x64xf32, #tpu.memory_space<vmem>>
    %dma_start3A_20 = tpu.memref_squeeze %dma_start3A_19 : memref<1x160x64xf32, #tpu.memory_space<vmem>> -> memref<160x64xf32, #tpu.memory_space<vmem>>
    %dma_start3A_21 = arith.constant 0 : i32
    %dma_start3A_22 = tpu.memref_slice %arg7[%dma_start3A_21] : memref<25600xi32, #tpu.memory_space<vmem>> -> memref<160xi32, #tpu.memory_space<vmem>>
    %dma_start3A_23 = arith.constant 0 : i32
    %dma_start3A_24 = arith.constant 0 : i32
    %dma_start3A_25 = tpu.memref_slice %arg3[%dma_start3A_23, %dma_start3A_24] : memref<1000000x64xf32, #tpu.memory_space<hbm>> -> memref<1000000x64xf32, #tpu.memory_space<hbm>>
    %dma_start3A_26 = tpu.memref_slice %arg10[%dma_start3A_16] : memref<4x!tpu.dma_semaphore, #tpu.memory_space<semaphore_mem>> -> memref<1x!tpu.dma_semaphore, #tpu.memory_space<semaphore_mem>>
    %dma_start3A_27 = tpu.memref_squeeze %dma_start3A_26 : memref<1x!tpu.dma_semaphore, #tpu.memory_space<semaphore_mem>> -> memref<!tpu.dma_semaphore, #tpu.memory_space<semaphore_mem>>
    tpu.enqueue_indirect_dma source(%dma_start3A_25 : memref<1000000x64xf32, #tpu.memory_space<hbm>>) target(%dma_start3A_20 : memref<160x64xf32, #tpu.memory_space<vmem>>) offsets(%dma_start3A_22 : memref<160xi32, #tpu.memory_space<vmem>>) semaphore(%dma_start3A_27 : memref<!tpu.dma_semaphore, #tpu.memory_space<semaphore_mem>>)
    %dma_start3A_28 = arith.constant 1 : i32
    %dma_start3A_29 = arith.constant 1 : i32
    %dma_start3A_30 = arith.constant 0 : i32
    %dma_start3A_31 = arith.constant 0 : i32
    %dma_start3A_32 = tpu.memref_slice %arg8[%dma_start3A_28, %dma_start3A_30, %dma_start3A_31] : memref<4x160x64xf32, #tpu.memory_space<vmem>> -> memref<1x160x64xf32, #tpu.memory_space<vmem>>
    %dma_start3A_33 = tpu.memref_squeeze %dma_start3A_32 : memref<1x160x64xf32, #tpu.memory_space<vmem>> -> memref<160x64xf32, #tpu.memory_space<vmem>>
    %dma_start3A_34 = arith.constant 160 : i32
    %dma_start3A_35 = tpu.memref_slice %arg7[%dma_start3A_34] : memref<25600xi32, #tpu.memory_space<vmem>> -> memref<160xi32, #tpu.memory_space<vmem>>
    %dma_start3A_36 = arith.constant 0 : i32
    %dma_start3A_37 = arith.constant 0 : i32
    %dma_start3A_38 = tpu.memref_slice %arg2[%dma_start3A_36, %dma_start3A_37] : memref<1000000x64xf32, #tpu.memory_space<hbm>> -> memref<1000000x64xf32, #tpu.memory_space<hbm>>
    %dma_start3A_39 = tpu.memref_slice %arg10[%dma_start3A_29] : memref<4x!tpu.dma_semaphore, #tpu.memory_space<semaphore_mem>> -> memref<1x!tpu.dma_semaphore, #tpu.memory_space<semaphore_mem>>
    %dma_start3A_40 = tpu.memref_squeeze %dma_start3A_39 : memref<1x!tpu.dma_semaphore, #tpu.memory_space<semaphore_mem>> -> memref<!tpu.dma_semaphore, #tpu.memory_space<semaphore_mem>>
    tpu.enqueue_indirect_dma source(%dma_start3A_38 : memref<1000000x64xf32, #tpu.memory_space<hbm>>) target(%dma_start3A_33 : memref<160x64xf32, #tpu.memory_space<vmem>>) offsets(%dma_start3A_35 : memref<160xi32, #tpu.memory_space<vmem>>) semaphore(%dma_start3A_40 : memref<!tpu.dma_semaphore, #tpu.memory_space<semaphore_mem>>)
    %dma_start3A_41 = arith.constant 1 : i32
    %dma_start3A_42 = arith.constant 1 : i32
    %dma_start3A_43 = arith.constant 0 : i32
    %dma_start3A_44 = arith.constant 0 : i32
    %dma_start3A_45 = tpu.memref_slice %arg9[%dma_start3A_41, %dma_start3A_43, %dma_start3A_44] : memref<4x160x64xf32, #tpu.memory_space<vmem>> -> memref<1x160x64xf32, #tpu.memory_space<vmem>>
    %dma_start3A_46 = tpu.memref_squeeze %dma_start3A_45 : memref<1x160x64xf32, #tpu.memory_space<vmem>> -> memref<160x64xf32, #tpu.memory_space<vmem>>
    %dma_start3A_47 = arith.constant 160 : i32
    %dma_start3A_48 = tpu.memref_slice %arg7[%dma_start3A_47] : memref<25600xi32, #tpu.memory_space<vmem>> -> memref<160xi32, #tpu.memory_space<vmem>>
    %dma_start3A_49 = arith.constant 0 : i32
    %dma_start3A_50 = arith.constant 0 : i32
    %dma_start3A_51 = tpu.memref_slice %arg3[%dma_start3A_49, %dma_start3A_50] : memref<1000000x64xf32, #tpu.memory_space<hbm>> -> memref<1000000x64xf32, #tpu.memory_space<hbm>>
    %dma_start3A_52 = tpu.memref_slice %arg10[%dma_start3A_42] : memref<4x!tpu.dma_semaphore, #tpu.memory_space<semaphore_mem>> -> memref<1x!tpu.dma_semaphore, #tpu.memory_space<semaphore_mem>>
    %dma_start3A_53 = tpu.memref_squeeze %dma_start3A_52 : memref<1x!tpu.dma_semaphore, #tpu.memory_space<semaphore_mem>> -> memref<!tpu.dma_semaphore, #tpu.memory_space<semaphore_mem>>
    tpu.enqueue_indirect_dma source(%dma_start3A_51 : memref<1000000x64xf32, #tpu.memory_space<hbm>>) target(%dma_start3A_46 : memref<160x64xf32, #tpu.memory_space<vmem>>) offsets(%dma_start3A_48 : memref<160xi32, #tpu.memory_space<vmem>>) semaphore(%dma_start3A_53 : memref<!tpu.dma_semaphore, #tpu.memory_space<semaphore_mem>>)
    %scan3A = arith.constant 0 : i32
    %scan3A_54 = arith.constant 0 : i32
    %scan3A_55 = arith.constant 40 : i32
    %scan3A_56 = arith.addi %scan3A_54, %scan3A_55 : i32
    %scan3A_57 = arith.constant 1 : i32
    scf.for %scan3A_194 = %scan3A_54 to %scan3A_56 step %scan3A_57  : i32 {
      %mul3A_195 = arith.constant 4 : i32
      %mul3A_196 = arith.muli %scan3A_194, %mul3A_195 : i32
      %add3A_197 = arith.constant 0 : i32
      %add3A_198 = arith.addi %mul3A_196, %add3A_197 : i32
      %add3A_199 = arith.constant 2 : i32
      %add3A_200 = arith.addi %add3A_198, %add3A_199 : i32
      %lt3A = arith.constant 160 : i32
      %lt3A_201 = arith.cmpi slt, %add3A_200, %lt3A : i32
      %convert_element_type3A = arith.extui %lt3A_201 : i1 to i32
      %cond3A = arith.constant 0 : i32
      %cond3A_202 = arith.cmpi ne, %convert_element_type3A, %cond3A : i32
      scf.if %cond3A_202 {
        %ge3A = arith.constant 4 : i32
        %ge3A_480 = arith.cmpi sge, %add3A_200, %ge3A : i32
        %convert_element_type3A_481 = arith.extui %ge3A_480 : i1 to i32
        %cond3A_482 = arith.constant 0 : i32
        %cond3A_483 = arith.cmpi ne, %convert_element_type3A_481, %cond3A_482 : i32
        scf.if %cond3A_483 {
          %sub3A = arith.constant 4 : i32
          %sub3A_510 = arith.subi %add3A_200, %sub3A : i32
          %mul3A_511 = arith.constant 160 : i32
          %mul3A_512 = arith.muli %sub3A_510, %mul3A_511 : i32
          %add3A_513 = arith.addi %mul3A_2, %mul3A_512 : i32
          %dma_wait3A_514 = arith.constant 2 : i32
          %dma_wait3A_515 = arith.constant 2 : i32
          %dma_wait3A_516 = arith.constant 0 : i32
          %dma_wait3A_517 = arith.constant 0 : i32
          %dma_wait3A_518 = tpu.memref_slice %arg8[%dma_wait3A_514, %dma_wait3A_516, %dma_wait3A_517] : memref<4x160x64xf32, #tpu.memory_space<vmem>> -> memref<1x160x64xf32, #tpu.memory_space<vmem>>
          %dma_wait3A_519 = tpu.memref_squeeze %dma_wait3A_518 : memref<1x160x64xf32, #tpu.memory_space<vmem>> -> memref<160x64xf32, #tpu.memory_space<vmem>>
          %dma_wait3A_520 = arith.constant 0 : i32
          %dma_wait3A_521 = tpu.memref_slice %arg5[%add3A_513, %dma_wait3A_520] : memref<819200x64xf32, #tpu.memory_space<hbm>> -> memref<160x64xf32, #tpu.memory_space<hbm>>
          %dma_wait3A_522 = tpu.memref_slice %arg11[%dma_wait3A_515] : memref<4x!tpu.dma_semaphore, #tpu.memory_space<semaphore_mem>> -> memref<1x!tpu.dma_semaphore, #tpu.memory_space<semaphore_mem>>
          %dma_wait3A_523 = tpu.memref_squeeze %dma_wait3A_522 : memref<1x!tpu.dma_semaphore, #tpu.memory_space<semaphore_mem>> -> memref<!tpu.dma_semaphore, #tpu.memory_space<semaphore_mem>>
          %dma_wait3A_524 = arith.constant 0 : i32
          %dma_wait3A_525 = tpu.memref_slice %arg5[%add3A_513, %dma_wait3A_524] : memref<819200x64xf32, #tpu.memory_space<hbm>> -> memref<160x64xf32, #tpu.memory_space<hbm>>
          %dma_wait3A_526 = arith.constant 0 : i32
          %dma_wait3A_527 = arith.constant 0 : i32
          %dma_wait3A_528 = tpu.memref_slice %arg8[%dma_wait3A_514, %dma_wait3A_526, %dma_wait3A_527] : memref<4x160x64xf32, #tpu.memory_space<vmem>> -> memref<1x160x64xf32, #tpu.memory_space<vmem>>
          %dma_wait3A_529 = tpu.memref_squeeze %dma_wait3A_528 : memref<1x160x64xf32, #tpu.memory_space<vmem>> -> memref<160x64xf32, #tpu.memory_space<vmem>>
          tpu.wait_dma2 semaphore(%dma_wait3A_523 : memref<!tpu.dma_semaphore, #tpu.memory_space<semaphore_mem>>) src(%dma_wait3A_529 : memref<160x64xf32, #tpu.memory_space<vmem>>) dst(%dma_wait3A_525 : memref<160x64xf32, #tpu.memory_space<hbm>>)
          %dma_wait3A_530 = arith.constant 2 : i32
          %dma_wait3A_531 = arith.constant 2 : i32
          %dma_wait3A_532 = arith.constant 0 : i32
          %dma_wait3A_533 = arith.constant 0 : i32
          %dma_wait3A_534 = tpu.memref_slice %arg9[%dma_wait3A_530, %dma_wait3A_532, %dma_wait3A_533] : memref<4x160x64xf32, #tpu.memory_space<vmem>> -> memref<1x160x64xf32, #tpu.memory_space<vmem>>
          %dma_wait3A_535 = tpu.memref_squeeze %dma_wait3A_534 : memref<1x160x64xf32, #tpu.memory_space<vmem>> -> memref<160x64xf32, #tpu.memory_space<vmem>>
          %dma_wait3A_536 = arith.constant 0 : i32
          %dma_wait3A_537 = tpu.memref_slice %arg6[%add3A_513, %dma_wait3A_536] : memref<819200x64xf32, #tpu.memory_space<hbm>> -> memref<160x64xf32, #tpu.memory_space<hbm>>
          %dma_wait3A_538 = tpu.memref_slice %arg11[%dma_wait3A_531] : memref<4x!tpu.dma_semaphore, #tpu.memory_space<semaphore_mem>> -> memref<1x!tpu.dma_semaphore, #tpu.memory_space<semaphore_mem>>
          %dma_wait3A_539 = tpu.memref_squeeze %dma_wait3A_538 : memref<1x!tpu.dma_semaphore, #tpu.memory_space<semaphore_mem>> -> memref<!tpu.dma_semaphore, #tpu.memory_space<semaphore_mem>>
          %dma_wait3A_540 = arith.constant 0 : i32
          %dma_wait3A_541 = tpu.memref_slice %arg6[%add3A_513, %dma_wait3A_540] : memref<819200x64xf32, #tpu.memory_space<hbm>> -> memref<160x64xf32, #tpu.memory_space<hbm>>
          %dma_wait3A_542 = arith.constant 0 : i32
          %dma_wait3A_543 = arith.constant 0 : i32
          %dma_wait3A_544 = tpu.memref_slice %arg9[%dma_wait3A_530, %dma_wait3A_542, %dma_wait3A_543] : memref<4x160x64xf32, #tpu.memory_space<vmem>> -> memref<1x160x64xf32, #tpu.memory_space<vmem>>
          %dma_wait3A_545 = tpu.memref_squeeze %dma_wait3A_544 : memref<1x160x64xf32, #tpu.memory_space<vmem>> -> memref<160x64xf32, #tpu.memory_space<vmem>>
          tpu.wait_dma2 semaphore(%dma_wait3A_539 : memref<!tpu.dma_semaphore, #tpu.memory_space<semaphore_mem>>) src(%dma_wait3A_545 : memref<160x64xf32, #tpu.memory_space<vmem>>) dst(%dma_wait3A_541 : memref<160x64xf32, #tpu.memory_space<hbm>>)
        } else {
        }
        %mul3A_484 = arith.constant 160 : i32
        %mul3A_485 = arith.muli %add3A_200, %mul3A_484 : i32
        %dma_start3A_486 = arith.constant 2 : i32
        %dma_start3A_487 = arith.constant 2 : i32
        %dma_start3A_488 = arith.constant 0 : i32
        %dma_start3A_489 = arith.constant 0 : i32
        %dma_start3A_490 = tpu.memref_slice %arg8[%dma_start3A_486, %dma_start3A_488, %dma_start3A_489] : memref<4x160x64xf32, #tpu.memory_space<vmem>> -> memref<1x160x64xf32, #tpu.memory_space<vmem>>
        %dma_start3A_491 = tpu.memref_squeeze %dma_start3A_490 : memref<1x160x64xf32, #tpu.memory_space<vmem>> -> memref<160x64xf32, #tpu.memory_space<vmem>>
        %dma_start3A_492 = tpu.memref_slice %arg7[%mul3A_485] : memref<25600xi32, #tpu.memory_space<vmem>> -> memref<160xi32, #tpu.memory_space<vmem>>
        %dma_start3A_493 = arith.constant 0 : i32
        %dma_start3A_494 = arith.constant 0 : i32
        %dma_start3A_495 = tpu.memref_slice %arg2[%dma_start3A_493, %dma_start3A_494] : memref<1000000x64xf32, #tpu.memory_space<hbm>> -> memref<1000000x64xf32, #tpu.memory_space<hbm>>
        %dma_start3A_496 = tpu.memref_slice %arg10[%dma_start3A_487] : memref<4x!tpu.dma_semaphore, #tpu.memory_space<semaphore_mem>> -> memref<1x!tpu.dma_semaphore, #tpu.memory_space<semaphore_mem>>
        %dma_start3A_497 = tpu.memref_squeeze %dma_start3A_496 : memref<1x!tpu.dma_semaphore, #tpu.memory_space<semaphore_mem>> -> memref<!tpu.dma_semaphore, #tpu.memory_space<semaphore_mem>>
        tpu.enqueue_indirect_dma source(%dma_start3A_495 : memref<1000000x64xf32, #tpu.memory_space<hbm>>) target(%dma_start3A_491 : memref<160x64xf32, #tpu.memory_space<vmem>>) offsets(%dma_start3A_492 : memref<160xi32, #tpu.memory_space<vmem>>) semaphore(%dma_start3A_497 : memref<!tpu.dma_semaphore, #tpu.memory_space<semaphore_mem>>)
        %dma_start3A_498 = arith.constant 2 : i32
        %dma_start3A_499 = arith.constant 2 : i32
        %dma_start3A_500 = arith.constant 0 : i32
        %dma_start3A_501 = arith.constant 0 : i32
        %dma_start3A_502 = tpu.memref_slice %arg9[%dma_start3A_498, %dma_start3A_500, %dma_start3A_501] : memref<4x160x64xf32, #tpu.memory_space<vmem>> -> memref<1x160x64xf32, #tpu.memory_space<vmem>>
        %dma_start3A_503 = tpu.memref_squeeze %dma_start3A_502 : memref<1x160x64xf32, #tpu.memory_space<vmem>> -> memref<160x64xf32, #tpu.memory_space<vmem>>
        %dma_start3A_504 = tpu.memref_slice %arg7[%mul3A_485] : memref<25600xi32, #tpu.memory_space<vmem>> -> memref<160xi32, #tpu.memory_space<vmem>>
        %dma_start3A_505 = arith.constant 0 : i32
        %dma_start3A_506 = arith.constant 0 : i32
        %dma_start3A_507 = tpu.memref_slice %arg3[%dma_start3A_505, %dma_start3A_506] : memref<1000000x64xf32, #tpu.memory_space<hbm>> -> memref<1000000x64xf32, #tpu.memory_space<hbm>>
        %dma_start3A_508 = tpu.memref_slice %arg10[%dma_start3A_499] : memref<4x!tpu.dma_semaphore, #tpu.memory_space<semaphore_mem>> -> memref<1x!tpu.dma_semaphore, #tpu.memory_space<semaphore_mem>>
        %dma_start3A_509 = tpu.memref_squeeze %dma_start3A_508 : memref<1x!tpu.dma_semaphore, #tpu.memory_space<semaphore_mem>> -> memref<!tpu.dma_semaphore, #tpu.memory_space<semaphore_mem>>
        tpu.enqueue_indirect_dma source(%dma_start3A_507 : memref<1000000x64xf32, #tpu.memory_space<hbm>>) target(%dma_start3A_503 : memref<160x64xf32, #tpu.memory_space<vmem>>) offsets(%dma_start3A_504 : memref<160xi32, #tpu.memory_space<vmem>>) semaphore(%dma_start3A_509 : memref<!tpu.dma_semaphore, #tpu.memory_space<semaphore_mem>>)
      } else {
      }
      %mul3A_203 = arith.constant 160 : i32
      %mul3A_204 = arith.muli %add3A_198, %mul3A_203 : i32
      %dma_wait3A_205 = arith.constant 0 : i32
      %dma_wait3A_206 = arith.constant 0 : i32
      %dma_wait3A_207 = arith.constant 0 : i32
      %dma_wait3A_208 = arith.constant 0 : i32
      %dma_wait3A_209 = tpu.memref_slice %arg8[%dma_wait3A_205, %dma_wait3A_207, %dma_wait3A_208] : memref<4x160x64xf32, #tpu.memory_space<vmem>> -> memref<1x160x64xf32, #tpu.memory_space<vmem>>
      %dma_wait3A_210 = tpu.memref_squeeze %dma_wait3A_209 : memref<1x160x64xf32, #tpu.memory_space<vmem>> -> memref<160x64xf32, #tpu.memory_space<vmem>>
      %dma_wait3A_211 = tpu.memref_slice %arg7[%mul3A_204] : memref<25600xi32, #tpu.memory_space<vmem>> -> memref<160xi32, #tpu.memory_space<vmem>>
      %dma_wait3A_212 = arith.constant 0 : i32
      %dma_wait3A_213 = arith.constant 0 : i32
      %dma_wait3A_214 = tpu.memref_slice %arg2[%dma_wait3A_212, %dma_wait3A_213] : memref<1000000x64xf32, #tpu.memory_space<hbm>> -> memref<1000000x64xf32, #tpu.memory_space<hbm>>
      %dma_wait3A_215 = tpu.memref_slice %arg10[%dma_wait3A_206] : memref<4x!tpu.dma_semaphore, #tpu.memory_space<semaphore_mem>> -> memref<1x!tpu.dma_semaphore, #tpu.memory_space<semaphore_mem>>
      %dma_wait3A_216 = tpu.memref_squeeze %dma_wait3A_215 : memref<1x!tpu.dma_semaphore, #tpu.memory_space<semaphore_mem>> -> memref<!tpu.dma_semaphore, #tpu.memory_space<semaphore_mem>>
      tpu.wait_indirect_dma semaphore(%dma_wait3A_216 : memref<!tpu.dma_semaphore, #tpu.memory_space<semaphore_mem>>) src(%dma_wait3A_214 : memref<1000000x64xf32, #tpu.memory_space<hbm>>) dst(%dma_wait3A_210 : memref<160x64xf32, #tpu.memory_space<vmem>>)
      %dma_wait3A_217 = arith.constant 0 : i32
      %dma_wait3A_218 = arith.constant 0 : i32
      %dma_wait3A_219 = arith.constant 0 : i32
      %dma_wait3A_220 = arith.constant 0 : i32
      %dma_wait3A_221 = tpu.memref_slice %arg9[%dma_wait3A_217, %dma_wait3A_219, %dma_wait3A_220] : memref<4x160x64xf32, #tpu.memory_space<vmem>> -> memref<1x160x64xf32, #tpu.memory_space<vmem>>
      %dma_wait3A_222 = tpu.memref_squeeze %dma_wait3A_221 : memref<1x160x64xf32, #tpu.memory_space<vmem>> -> memref<160x64xf32, #tpu.memory_space<vmem>>
      %dma_wait3A_223 = tpu.memref_slice %arg7[%mul3A_204] : memref<25600xi32, #tpu.memory_space<vmem>> -> memref<160xi32, #tpu.memory_space<vmem>>
      %dma_wait3A_224 = arith.constant 0 : i32
      %dma_wait3A_225 = arith.constant 0 : i32
      %dma_wait3A_226 = tpu.memref_slice %arg3[%dma_wait3A_224, %dma_wait3A_225] : memref<1000000x64xf32, #tpu.memory_space<hbm>> -> memref<1000000x64xf32, #tpu.memory_space<hbm>>
      %dma_wait3A_227 = tpu.memref_slice %arg10[%dma_wait3A_218] : memref<4x!tpu.dma_semaphore, #tpu.memory_space<semaphore_mem>> -> memref<1x!tpu.dma_semaphore, #tpu.memory_space<semaphore_mem>>
      %dma_wait3A_228 = tpu.memref_squeeze %dma_wait3A_227 : memref<1x!tpu.dma_semaphore, #tpu.memory_space<semaphore_mem>> -> memref<!tpu.dma_semaphore, #tpu.memory_space<semaphore_mem>>
      tpu.wait_indirect_dma semaphore(%dma_wait3A_228 : memref<!tpu.dma_semaphore, #tpu.memory_space<semaphore_mem>>) src(%dma_wait3A_226 : memref<1000000x64xf32, #tpu.memory_space<hbm>>) dst(%dma_wait3A_222 : memref<160x64xf32, #tpu.memory_space<vmem>>)
      %mul3A_229 = arith.constant 160 : i32
      %mul3A_230 = arith.muli %add3A_198, %mul3A_229 : i32
      %add3A_231 = arith.addi %mul3A_2, %mul3A_230 : i32
      %dma_start3A_232 = arith.constant 0 : i32
      %dma_start3A_233 = arith.constant 0 : i32
      %dma_start3A_234 = arith.constant 0 : i32
      %dma_start3A_235 = arith.constant 0 : i32
      %dma_start3A_236 = tpu.memref_slice %arg8[%dma_start3A_232, %dma_start3A_234, %dma_start3A_235] : memref<4x160x64xf32, #tpu.memory_space<vmem>> -> memref<1x160x64xf32, #tpu.memory_space<vmem>>
      %dma_start3A_237 = tpu.memref_squeeze %dma_start3A_236 : memref<1x160x64xf32, #tpu.memory_space<vmem>> -> memref<160x64xf32, #tpu.memory_space<vmem>>
      %dma_start3A_238 = arith.constant 0 : i32
      %dma_start3A_239 = tpu.memref_slice %arg5[%add3A_231, %dma_start3A_238] : memref<819200x64xf32, #tpu.memory_space<hbm>> -> memref<160x64xf32, #tpu.memory_space<hbm>>
      %dma_start3A_240 = tpu.memref_slice %arg11[%dma_start3A_233] : memref<4x!tpu.dma_semaphore, #tpu.memory_space<semaphore_mem>> -> memref<1x!tpu.dma_semaphore, #tpu.memory_space<semaphore_mem>>
      %dma_start3A_241 = tpu.memref_squeeze %dma_start3A_240 : memref<1x!tpu.dma_semaphore, #tpu.memory_space<semaphore_mem>> -> memref<!tpu.dma_semaphore, #tpu.memory_space<semaphore_mem>>
      %dma_start3A_242 = arith.constant 0 : i32
      %dma_start3A_243 = tpu.memref_slice %arg5[%add3A_231, %dma_start3A_242] : memref<819200x64xf32, #tpu.memory_space<hbm>> -> memref<160x64xf32, #tpu.memory_space<hbm>>
      %dma_start3A_244 = arith.constant 0 : i32
      %dma_start3A_245 = arith.constant 0 : i32
      %dma_start3A_246 = tpu.memref_slice %arg8[%dma_start3A_232, %dma_start3A_244, %dma_start3A_245] : memref<4x160x64xf32, #tpu.memory_space<vmem>> -> memref<1x160x64xf32, #tpu.memory_space<vmem>>
      %dma_start3A_247 = tpu.memref_squeeze %dma_start3A_246 : memref<1x160x64xf32, #tpu.memory_space<vmem>> -> memref<160x64xf32, #tpu.memory_space<vmem>>
      tpu.enqueue_dma source(%dma_start3A_247 : memref<160x64xf32, #tpu.memory_space<vmem>>) target(%dma_start3A_243 : memref<160x64xf32, #tpu.memory_space<hbm>>) target_semaphore(%dma_start3A_241 : memref<!tpu.dma_semaphore, #tpu.memory_space<semaphore_mem>>)
      %dma_start3A_248 = arith.constant 0 : i32
      %dma_start3A_249 = arith.constant 0 : i32
      %dma_start3A_250 = arith.constant 0 : i32
      %dma_start3A_251 = arith.constant 0 : i32
      %dma_start3A_252 = tpu.memref_slice %arg9[%dma_start3A_248, %dma_start3A_250, %dma_start3A_251] : memref<4x160x64xf32, #tpu.memory_space<vmem>> -> memref<1x160x64xf32, #tpu.memory_space<vmem>>
      %dma_start3A_253 = tpu.memref_squeeze %dma_start3A_252 : memref<1x160x64xf32, #tpu.memory_space<vmem>> -> memref<160x64xf32, #tpu.memory_space<vmem>>
      %dma_start3A_254 = arith.constant 0 : i32
      %dma_start3A_255 = tpu.memref_slice %arg6[%add3A_231, %dma_start3A_254] : memref<819200x64xf32, #tpu.memory_space<hbm>> -> memref<160x64xf32, #tpu.memory_space<hbm>>
      %dma_start3A_256 = tpu.memref_slice %arg11[%dma_start3A_249] : memref<4x!tpu.dma_semaphore, #tpu.memory_space<semaphore_mem>> -> memref<1x!tpu.dma_semaphore, #tpu.memory_space<semaphore_mem>>
      %dma_start3A_257 = tpu.memref_squeeze %dma_start3A_256 : memref<1x!tpu.dma_semaphore, #tpu.memory_space<semaphore_mem>> -> memref<!tpu.dma_semaphore, #tpu.memory_space<semaphore_mem>>
      %dma_start3A_258 = arith.constant 0 : i32
      %dma_start3A_259 = tpu.memref_slice %arg6[%add3A_231, %dma_start3A_258] : memref<819200x64xf32, #tpu.memory_space<hbm>> -> memref<160x64xf32, #tpu.memory_space<hbm>>
      %dma_start3A_260 = arith.constant 0 : i32
      %dma_start3A_261 = arith.constant 0 : i32
      %dma_start3A_262 = tpu.memref_slice %arg9[%dma_start3A_248, %dma_start3A_260, %dma_start3A_261] : memref<4x160x64xf32, #tpu.memory_space<vmem>> -> memref<1x160x64xf32, #tpu.memory_space<vmem>>
      %dma_start3A_263 = tpu.memref_squeeze %dma_start3A_262 : memref<1x160x64xf32, #tpu.memory_space<vmem>> -> memref<160x64xf32, #tpu.memory_space<vmem>>
      tpu.enqueue_dma source(%dma_start3A_263 : memref<160x64xf32, #tpu.memory_space<vmem>>) target(%dma_start3A_259 : memref<160x64xf32, #tpu.memory_space<hbm>>) target_semaphore(%dma_start3A_257 : memref<!tpu.dma_semaphore, #tpu.memory_space<semaphore_mem>>)
      %mul3A_264 = arith.constant 4 : i32
      %mul3A_265 = arith.muli %scan3A_194, %mul3A_264 : i32
      %add3A_266 = arith.constant 1 : i32
      %add3A_267 = arith.addi %mul3A_265, %add3A_266 : i32
      %add3A_268 = arith.constant 2 : i32
      %add3A_269 = arith.addi %add3A_267, %add3A_268 : i32
      %lt3A_270 = arith.constant 160 : i32
      %lt3A_271 = arith.cmpi slt, %add3A_269, %lt3A_270 : i32
      %convert_element_type3A_272 = arith.extui %lt3A_271 : i1 to i32
      %cond3A_273 = arith.constant 0 : i32
      %cond3A_274 = arith.cmpi ne, %convert_element_type3A_272, %cond3A_273 : i32
      scf.if %cond3A_274 {
        %ge3A = arith.constant 4 : i32
        %ge3A_480 = arith.cmpi sge, %add3A_269, %ge3A : i32
        %convert_element_type3A_481 = arith.extui %ge3A_480 : i1 to i32
        %cond3A_482 = arith.constant 0 : i32
        %cond3A_483 = arith.cmpi ne, %convert_element_type3A_481, %cond3A_482 : i32
        scf.if %cond3A_483 {
          %sub3A = arith.constant 4 : i32
          %sub3A_510 = arith.subi %add3A_269, %sub3A : i32
          %mul3A_511 = arith.constant 160 : i32
          %mul3A_512 = arith.muli %sub3A_510, %mul3A_511 : i32
          %add3A_513 = arith.addi %mul3A_2, %mul3A_512 : i32
          %dma_wait3A_514 = arith.constant 3 : i32
          %dma_wait3A_515 = arith.constant 3 : i32
          %dma_wait3A_516 = arith.constant 0 : i32
          %dma_wait3A_517 = arith.constant 0 : i32
          %dma_wait3A_518 = tpu.memref_slice %arg8[%dma_wait3A_514, %dma_wait3A_516, %dma_wait3A_517] : memref<4x160x64xf32, #tpu.memory_space<vmem>> -> memref<1x160x64xf32, #tpu.memory_space<vmem>>
          %dma_wait3A_519 = tpu.memref_squeeze %dma_wait3A_518 : memref<1x160x64xf32, #tpu.memory_space<vmem>> -> memref<160x64xf32, #tpu.memory_space<vmem>>
          %dma_wait3A_520 = arith.constant 0 : i32
          %dma_wait3A_521 = tpu.memref_slice %arg5[%add3A_513, %dma_wait3A_520] : memref<819200x64xf32, #tpu.memory_space<hbm>> -> memref<160x64xf32, #tpu.memory_space<hbm>>
          %dma_wait3A_522 = tpu.memref_slice %arg11[%dma_wait3A_515] : memref<4x!tpu.dma_semaphore, #tpu.memory_space<semaphore_mem>> -> memref<1x!tpu.dma_semaphore, #tpu.memory_space<semaphore_mem>>
          %dma_wait3A_523 = tpu.memref_squeeze %dma_wait3A_522 : memref<1x!tpu.dma_semaphore, #tpu.memory_space<semaphore_mem>> -> memref<!tpu.dma_semaphore, #tpu.memory_space<semaphore_mem>>
          %dma_wait3A_524 = arith.constant 0 : i32
          %dma_wait3A_525 = tpu.memref_slice %arg5[%add3A_513, %dma_wait3A_524] : memref<819200x64xf32, #tpu.memory_space<hbm>> -> memref<160x64xf32, #tpu.memory_space<hbm>>
          %dma_wait3A_526 = arith.constant 0 : i32
          %dma_wait3A_527 = arith.constant 0 : i32
          %dma_wait3A_528 = tpu.memref_slice %arg8[%dma_wait3A_514, %dma_wait3A_526, %dma_wait3A_527] : memref<4x160x64xf32, #tpu.memory_space<vmem>> -> memref<1x160x64xf32, #tpu.memory_space<vmem>>
          %dma_wait3A_529 = tpu.memref_squeeze %dma_wait3A_528 : memref<1x160x64xf32, #tpu.memory_space<vmem>> -> memref<160x64xf32, #tpu.memory_space<vmem>>
          tpu.wait_dma2 semaphore(%dma_wait3A_523 : memref<!tpu.dma_semaphore, #tpu.memory_space<semaphore_mem>>) src(%dma_wait3A_529 : memref<160x64xf32, #tpu.memory_space<vmem>>) dst(%dma_wait3A_525 : memref<160x64xf32, #tpu.memory_space<hbm>>)
          %dma_wait3A_530 = arith.constant 3 : i32
          %dma_wait3A_531 = arith.constant 3 : i32
          %dma_wait3A_532 = arith.constant 0 : i32
          %dma_wait3A_533 = arith.constant 0 : i32
          %dma_wait3A_534 = tpu.memref_slice %arg9[%dma_wait3A_530, %dma_wait3A_532, %dma_wait3A_533] : memref<4x160x64xf32, #tpu.memory_space<vmem>> -> memref<1x160x64xf32, #tpu.memory_space<vmem>>
          %dma_wait3A_535 = tpu.memref_squeeze %dma_wait3A_534 : memref<1x160x64xf32, #tpu.memory_space<vmem>> -> memref<160x64xf32, #tpu.memory_space<vmem>>
          %dma_wait3A_536 = arith.constant 0 : i32
          %dma_wait3A_537 = tpu.memref_slice %arg6[%add3A_513, %dma_wait3A_536] : memref<819200x64xf32, #tpu.memory_space<hbm>> -> memref<160x64xf32, #tpu.memory_space<hbm>>
          %dma_wait3A_538 = tpu.memref_slice %arg11[%dma_wait3A_531] : memref<4x!tpu.dma_semaphore, #tpu.memory_space<semaphore_mem>> -> memref<1x!tpu.dma_semaphore, #tpu.memory_space<semaphore_mem>>
          %dma_wait3A_539 = tpu.memref_squeeze %dma_wait3A_538 : memref<1x!tpu.dma_semaphore, #tpu.memory_space<semaphore_mem>> -> memref<!tpu.dma_semaphore, #tpu.memory_space<semaphore_mem>>
          %dma_wait3A_540 = arith.constant 0 : i32
          %dma_wait3A_541 = tpu.memref_slice %arg6[%add3A_513, %dma_wait3A_540] : memref<819200x64xf32, #tpu.memory_space<hbm>> -> memref<160x64xf32, #tpu.memory_space<hbm>>
          %dma_wait3A_542 = arith.constant 0 : i32
          %dma_wait3A_543 = arith.constant 0 : i32
          %dma_wait3A_544 = tpu.memref_slice %arg9[%dma_wait3A_530, %dma_wait3A_542, %dma_wait3A_543] : memref<4x160x64xf32, #tpu.memory_space<vmem>> -> memref<1x160x64xf32, #tpu.memory_space<vmem>>
          %dma_wait3A_545 = tpu.memref_squeeze %dma_wait3A_544 : memref<1x160x64xf32, #tpu.memory_space<vmem>> -> memref<160x64xf32, #tpu.memory_space<vmem>>
          tpu.wait_dma2 semaphore(%dma_wait3A_539 : memref<!tpu.dma_semaphore, #tpu.memory_space<semaphore_mem>>) src(%dma_wait3A_545 : memref<160x64xf32, #tpu.memory_space<vmem>>) dst(%dma_wait3A_541 : memref<160x64xf32, #tpu.memory_space<hbm>>)
        } else {
        }
        %mul3A_484 = arith.constant 160 : i32
        %mul3A_485 = arith.muli %add3A_269, %mul3A_484 : i32
        %dma_start3A_486 = arith.constant 3 : i32
        %dma_start3A_487 = arith.constant 3 : i32
        %dma_start3A_488 = arith.constant 0 : i32
        %dma_start3A_489 = arith.constant 0 : i32
        %dma_start3A_490 = tpu.memref_slice %arg8[%dma_start3A_486, %dma_start3A_488, %dma_start3A_489] : memref<4x160x64xf32, #tpu.memory_space<vmem>> -> memref<1x160x64xf32, #tpu.memory_space<vmem>>
        %dma_start3A_491 = tpu.memref_squeeze %dma_start3A_490 : memref<1x160x64xf32, #tpu.memory_space<vmem>> -> memref<160x64xf32, #tpu.memory_space<vmem>>
        %dma_start3A_492 = tpu.memref_slice %arg7[%mul3A_485] : memref<25600xi32, #tpu.memory_space<vmem>> -> memref<160xi32, #tpu.memory_space<vmem>>
        %dma_start3A_493 = arith.constant 0 : i32
        %dma_start3A_494 = arith.constant 0 : i32
        %dma_start3A_495 = tpu.memref_slice %arg2[%dma_start3A_493, %dma_start3A_494] : memref<1000000x64xf32, #tpu.memory_space<hbm>> -> memref<1000000x64xf32, #tpu.memory_space<hbm>>
        %dma_start3A_496 = tpu.memref_slice %arg10[%dma_start3A_487] : memref<4x!tpu.dma_semaphore, #tpu.memory_space<semaphore_mem>> -> memref<1x!tpu.dma_semaphore, #tpu.memory_space<semaphore_mem>>
        %dma_start3A_497 = tpu.memref_squeeze %dma_start3A_496 : memref<1x!tpu.dma_semaphore, #tpu.memory_space<semaphore_mem>> -> memref<!tpu.dma_semaphore, #tpu.memory_space<semaphore_mem>>
        tpu.enqueue_indirect_dma source(%dma_start3A_495 : memref<1000000x64xf32, #tpu.memory_space<hbm>>) target(%dma_start3A_491 : memref<160x64xf32, #tpu.memory_space<vmem>>) offsets(%dma_start3A_492 : memref<160xi32, #tpu.memory_space<vmem>>) semaphore(%dma_start3A_497 : memref<!tpu.dma_semaphore, #tpu.memory_space<semaphore_mem>>)
        %dma_start3A_498 = arith.constant 3 : i32
        %dma_start3A_499 = arith.constant 3 : i32
        %dma_start3A_500 = arith.constant 0 : i32
        %dma_start3A_501 = arith.constant 0 : i32
        %dma_start3A_502 = tpu.memref_slice %arg9[%dma_start3A_498, %dma_start3A_500, %dma_start3A_501] : memref<4x160x64xf32, #tpu.memory_space<vmem>> -> memref<1x160x64xf32, #tpu.memory_space<vmem>>
        %dma_start3A_503 = tpu.memref_squeeze %dma_start3A_502 : memref<1x160x64xf32, #tpu.memory_space<vmem>> -> memref<160x64xf32, #tpu.memory_space<vmem>>
        %dma_start3A_504 = tpu.memref_slice %arg7[%mul3A_485] : memref<25600xi32, #tpu.memory_space<vmem>> -> memref<160xi32, #tpu.memory_space<vmem>>
        %dma_start3A_505 = arith.constant 0 : i32
        %dma_start3A_506 = arith.constant 0 : i32
        %dma_start3A_507 = tpu.memref_slice %arg3[%dma_start3A_505, %dma_start3A_506] : memref<1000000x64xf32, #tpu.memory_space<hbm>> -> memref<1000000x64xf32, #tpu.memory_space<hbm>>
        %dma_start3A_508 = tpu.memref_slice %arg10[%dma_start3A_499] : memref<4x!tpu.dma_semaphore, #tpu.memory_space<semaphore_mem>> -> memref<1x!tpu.dma_semaphore, #tpu.memory_space<semaphore_mem>>
        %dma_start3A_509 = tpu.memref_squeeze %dma_start3A_508 : memref<1x!tpu.dma_semaphore, #tpu.memory_space<semaphore_mem>> -> memref<!tpu.dma_semaphore, #tpu.memory_space<semaphore_mem>>
        tpu.enqueue_indirect_dma source(%dma_start3A_507 : memref<1000000x64xf32, #tpu.memory_space<hbm>>) target(%dma_start3A_503 : memref<160x64xf32, #tpu.memory_space<vmem>>) offsets(%dma_start3A_504 : memref<160xi32, #tpu.memory_space<vmem>>) semaphore(%dma_start3A_509 : memref<!tpu.dma_semaphore, #tpu.memory_space<semaphore_mem>>)
      } else {
      }
      %mul3A_275 = arith.constant 160 : i32
      %mul3A_276 = arith.muli %add3A_267, %mul3A_275 : i32
      %dma_wait3A_277 = arith.constant 1 : i32
      %dma_wait3A_278 = arith.constant 1 : i32
      %dma_wait3A_279 = arith.constant 0 : i32
      %dma_wait3A_280 = arith.constant 0 : i32
      %dma_wait3A_281 = tpu.memref_slice %arg8[%dma_wait3A_277, %dma_wait3A_279, %dma_wait3A_280] : memref<4x160x64xf32, #tpu.memory_space<vmem>> -> memref<1x160x64xf32, #tpu.memory_space<vmem>>
      %dma_wait3A_282 = tpu.memref_squeeze %dma_wait3A_281 : memref<1x160x64xf32, #tpu.memory_space<vmem>> -> memref<160x64xf32, #tpu.memory_space<vmem>>
      %dma_wait3A_283 = tpu.memref_slice %arg7[%mul3A_276] : memref<25600xi32, #tpu.memory_space<vmem>> -> memref<160xi32, #tpu.memory_space<vmem>>
      %dma_wait3A_284 = arith.constant 0 : i32
      %dma_wait3A_285 = arith.constant 0 : i32
      %dma_wait3A_286 = tpu.memref_slice %arg2[%dma_wait3A_284, %dma_wait3A_285] : memref<1000000x64xf32, #tpu.memory_space<hbm>> -> memref<1000000x64xf32, #tpu.memory_space<hbm>>
      %dma_wait3A_287 = tpu.memref_slice %arg10[%dma_wait3A_278] : memref<4x!tpu.dma_semaphore, #tpu.memory_space<semaphore_mem>> -> memref<1x!tpu.dma_semaphore, #tpu.memory_space<semaphore_mem>>
      %dma_wait3A_288 = tpu.memref_squeeze %dma_wait3A_287 : memref<1x!tpu.dma_semaphore, #tpu.memory_space<semaphore_mem>> -> memref<!tpu.dma_semaphore, #tpu.memory_space<semaphore_mem>>
      tpu.wait_indirect_dma semaphore(%dma_wait3A_288 : memref<!tpu.dma_semaphore, #tpu.memory_space<semaphore_mem>>) src(%dma_wait3A_286 : memref<1000000x64xf32, #tpu.memory_space<hbm>>) dst(%dma_wait3A_282 : memref<160x64xf32, #tpu.memory_space<vmem>>)
      %dma_wait3A_289 = arith.constant 1 : i32
      %dma_wait3A_290 = arith.constant 1 : i32
      %dma_wait3A_291 = arith.constant 0 : i32
      %dma_wait3A_292 = arith.constant 0 : i32
      %dma_wait3A_293 = tpu.memref_slice %arg9[%dma_wait3A_289, %dma_wait3A_291, %dma_wait3A_292] : memref<4x160x64xf32, #tpu.memory_space<vmem>> -> memref<1x160x64xf32, #tpu.memory_space<vmem>>
      %dma_wait3A_294 = tpu.memref_squeeze %dma_wait3A_293 : memref<1x160x64xf32, #tpu.memory_space<vmem>> -> memref<160x64xf32, #tpu.memory_space<vmem>>
      %dma_wait3A_295 = tpu.memref_slice %arg7[%mul3A_276] : memref<25600xi32, #tpu.memory_space<vmem>> -> memref<160xi32, #tpu.memory_space<vmem>>
      %dma_wait3A_296 = arith.constant 0 : i32
      %dma_wait3A_297 = arith.constant 0 : i32
      %dma_wait3A_298 = tpu.memref_slice %arg3[%dma_wait3A_296, %dma_wait3A_297] : memref<1000000x64xf32, #tpu.memory_space<hbm>> -> memref<1000000x64xf32, #tpu.memory_space<hbm>>
      %dma_wait3A_299 = tpu.memref_slice %arg10[%dma_wait3A_290] : memref<4x!tpu.dma_semaphore, #tpu.memory_space<semaphore_mem>> -> memref<1x!tpu.dma_semaphore, #tpu.memory_space<semaphore_mem>>
      %dma_wait3A_300 = tpu.memref_squeeze %dma_wait3A_299 : memref<1x!tpu.dma_semaphore, #tpu.memory_space<semaphore_mem>> -> memref<!tpu.dma_semaphore, #tpu.memory_space<semaphore_mem>>
      tpu.wait_indirect_dma semaphore(%dma_wait3A_300 : memref<!tpu.dma_semaphore, #tpu.memory_space<semaphore_mem>>) src(%dma_wait3A_298 : memref<1000000x64xf32, #tpu.memory_space<hbm>>) dst(%dma_wait3A_294 : memref<160x64xf32, #tpu.memory_space<vmem>>)
      %mul3A_301 = arith.constant 160 : i32
      %mul3A_302 = arith.muli %add3A_267, %mul3A_301 : i32
      %add3A_303 = arith.addi %mul3A_2, %mul3A_302 : i32
      %dma_start3A_304 = arith.constant 1 : i32
      %dma_start3A_305 = arith.constant 1 : i32
      %dma_start3A_306 = arith.constant 0 : i32
      %dma_start3A_307 = arith.constant 0 : i32
      %dma_start3A_308 = tpu.memref_slice %arg8[%dma_start3A_304, %dma_start3A_306, %dma_start3A_307] : memref<4x160x64xf32, #tpu.memory_space<vmem>> -> memref<1x160x64xf32, #tpu.memory_space<vmem>>
      %dma_start3A_309 = tpu.memref_squeeze %dma_start3A_308 : memref<1x160x64xf32, #tpu.memory_space<vmem>> -> memref<160x64xf32, #tpu.memory_space<vmem>>
      %dma_start3A_310 = arith.constant 0 : i32
      %dma_start3A_311 = tpu.memref_slice %arg5[%add3A_303, %dma_start3A_310] : memref<819200x64xf32, #tpu.memory_space<hbm>> -> memref<160x64xf32, #tpu.memory_space<hbm>>
      %dma_start3A_312 = tpu.memref_slice %arg11[%dma_start3A_305] : memref<4x!tpu.dma_semaphore, #tpu.memory_space<semaphore_mem>> -> memref<1x!tpu.dma_semaphore, #tpu.memory_space<semaphore_mem>>
      %dma_start3A_313 = tpu.memref_squeeze %dma_start3A_312 : memref<1x!tpu.dma_semaphore, #tpu.memory_space<semaphore_mem>> -> memref<!tpu.dma_semaphore, #tpu.memory_space<semaphore_mem>>
      %dma_start3A_314 = arith.constant 0 : i32
      %dma_start3A_315 = tpu.memref_slice %arg5[%add3A_303, %dma_start3A_314] : memref<819200x64xf32, #tpu.memory_space<hbm>> -> memref<160x64xf32, #tpu.memory_space<hbm>>
      %dma_start3A_316 = arith.constant 0 : i32
      %dma_start3A_317 = arith.constant 0 : i32
      %dma_start3A_318 = tpu.memref_slice %arg8[%dma_start3A_304, %dma_start3A_316, %dma_start3A_317] : memref<4x160x64xf32, #tpu.memory_space<vmem>> -> memref<1x160x64xf32, #tpu.memory_space<vmem>>
      %dma_start3A_319 = tpu.memref_squeeze %dma_start3A_318 : memref<1x160x64xf32, #tpu.memory_space<vmem>> -> memref<160x64xf32, #tpu.memory_space<vmem>>
      tpu.enqueue_dma source(%dma_start3A_319 : memref<160x64xf32, #tpu.memory_space<vmem>>) target(%dma_start3A_315 : memref<160x64xf32, #tpu.memory_space<hbm>>) target_semaphore(%dma_start3A_313 : memref<!tpu.dma_semaphore, #tpu.memory_space<semaphore_mem>>)
      %dma_start3A_320 = arith.constant 1 : i32
      %dma_start3A_321 = arith.constant 1 : i32
      %dma_start3A_322 = arith.constant 0 : i32
      %dma_start3A_323 = arith.constant 0 : i32
      %dma_start3A_324 = tpu.memref_slice %arg9[%dma_start3A_320, %dma_start3A_322, %dma_start3A_323] : memref<4x160x64xf32, #tpu.memory_space<vmem>> -> memref<1x160x64xf32, #tpu.memory_space<vmem>>
      %dma_start3A_325 = tpu.memref_squeeze %dma_start3A_324 : memref<1x160x64xf32, #tpu.memory_space<vmem>> -> memref<160x64xf32, #tpu.memory_space<vmem>>
      %dma_start3A_326 = arith.constant 0 : i32
      %dma_start3A_327 = tpu.memref_slice %arg6[%add3A_303, %dma_start3A_326] : memref<819200x64xf32, #tpu.memory_space<hbm>> -> memref<160x64xf32, #tpu.memory_space<hbm>>
      %dma_start3A_328 = tpu.memref_slice %arg11[%dma_start3A_321] : memref<4x!tpu.dma_semaphore, #tpu.memory_space<semaphore_mem>> -> memref<1x!tpu.dma_semaphore, #tpu.memory_space<semaphore_mem>>
      %dma_start3A_329 = tpu.memref_squeeze %dma_start3A_328 : memref<1x!tpu.dma_semaphore, #tpu.memory_space<semaphore_mem>> -> memref<!tpu.dma_semaphore, #tpu.memory_space<semaphore_mem>>
      %dma_start3A_330 = arith.constant 0 : i32
      %dma_start3A_331 = tpu.memref_slice %arg6[%add3A_303, %dma_start3A_330] : memref<819200x64xf32, #tpu.memory_space<hbm>> -> memref<160x64xf32, #tpu.memory_space<hbm>>
      %dma_start3A_332 = arith.constant 0 : i32
      %dma_start3A_333 = arith.constant 0 : i32
      %dma_start3A_334 = tpu.memref_slice %arg9[%dma_start3A_320, %dma_start3A_332, %dma_start3A_333] : memref<4x160x64xf32, #tpu.memory_space<vmem>> -> memref<1x160x64xf32, #tpu.memory_space<vmem>>
      %dma_start3A_335 = tpu.memref_squeeze %dma_start3A_334 : memref<1x160x64xf32, #tpu.memory_space<vmem>> -> memref<160x64xf32, #tpu.memory_space<vmem>>
      tpu.enqueue_dma source(%dma_start3A_335 : memref<160x64xf32, #tpu.memory_space<vmem>>) target(%dma_start3A_331 : memref<160x64xf32, #tpu.memory_space<hbm>>) target_semaphore(%dma_start3A_329 : memref<!tpu.dma_semaphore, #tpu.memory_space<semaphore_mem>>)
      %mul3A_336 = arith.constant 4 : i32
      %mul3A_337 = arith.muli %scan3A_194, %mul3A_336 : i32
      %add3A_338 = arith.constant 2 : i32
      %add3A_339 = arith.addi %mul3A_337, %add3A_338 : i32
      %add3A_340 = arith.constant 2 : i32
      %add3A_341 = arith.addi %add3A_339, %add3A_340 : i32
      %lt3A_342 = arith.constant 160 : i32
      %lt3A_343 = arith.cmpi slt, %add3A_341, %lt3A_342 : i32
      %convert_element_type3A_344 = arith.extui %lt3A_343 : i1 to i32
      %cond3A_345 = arith.constant 0 : i32
      %cond3A_346 = arith.cmpi ne, %convert_element_type3A_344, %cond3A_345 : i32
      scf.if %cond3A_346 {
        %ge3A = arith.constant 4 : i32
        %ge3A_480 = arith.cmpi sge, %add3A_341, %ge3A : i32
        %convert_element_type3A_481 = arith.extui %ge3A_480 : i1 to i32
        %cond3A_482 = arith.constant 0 : i32
        %cond3A_483 = arith.cmpi ne, %convert_element_type3A_481, %cond3A_482 : i32
        scf.if %cond3A_483 {
          %sub3A = arith.constant 4 : i32
          %sub3A_510 = arith.subi %add3A_341, %sub3A : i32
          %mul3A_511 = arith.constant 160 : i32
          %mul3A_512 = arith.muli %sub3A_510, %mul3A_511 : i32
          %add3A_513 = arith.addi %mul3A_2, %mul3A_512 : i32
          %dma_wait3A_514 = arith.constant 0 : i32
          %dma_wait3A_515 = arith.constant 0 : i32
          %dma_wait3A_516 = arith.constant 0 : i32
          %dma_wait3A_517 = arith.constant 0 : i32
          %dma_wait3A_518 = tpu.memref_slice %arg8[%dma_wait3A_514, %dma_wait3A_516, %dma_wait3A_517] : memref<4x160x64xf32, #tpu.memory_space<vmem>> -> memref<1x160x64xf32, #tpu.memory_space<vmem>>
          %dma_wait3A_519 = tpu.memref_squeeze %dma_wait3A_518 : memref<1x160x64xf32, #tpu.memory_space<vmem>> -> memref<160x64xf32, #tpu.memory_space<vmem>>
          %dma_wait3A_520 = arith.constant 0 : i32
          %dma_wait3A_521 = tpu.memref_slice %arg5[%add3A_513, %dma_wait3A_520] : memref<819200x64xf32, #tpu.memory_space<hbm>> -> memref<160x64xf32, #tpu.memory_space<hbm>>
          %dma_wait3A_522 = tpu.memref_slice %arg11[%dma_wait3A_515] : memref<4x!tpu.dma_semaphore, #tpu.memory_space<semaphore_mem>> -> memref<1x!tpu.dma_semaphore, #tpu.memory_space<semaphore_mem>>
          %dma_wait3A_523 = tpu.memref_squeeze %dma_wait3A_522 : memref<1x!tpu.dma_semaphore, #tpu.memory_space<semaphore_mem>> -> memref<!tpu.dma_semaphore, #tpu.memory_space<semaphore_mem>>
          %dma_wait3A_524 = arith.constant 0 : i32
          %dma_wait3A_525 = tpu.memref_slice %arg5[%add3A_513, %dma_wait3A_524] : memref<819200x64xf32, #tpu.memory_space<hbm>> -> memref<160x64xf32, #tpu.memory_space<hbm>>
          %dma_wait3A_526 = arith.constant 0 : i32
          %dma_wait3A_527 = arith.constant 0 : i32
          %dma_wait3A_528 = tpu.memref_slice %arg8[%dma_wait3A_514, %dma_wait3A_526, %dma_wait3A_527] : memref<4x160x64xf32, #tpu.memory_space<vmem>> -> memref<1x160x64xf32, #tpu.memory_space<vmem>>
          %dma_wait3A_529 = tpu.memref_squeeze %dma_wait3A_528 : memref<1x160x64xf32, #tpu.memory_space<vmem>> -> memref<160x64xf32, #tpu.memory_space<vmem>>
          tpu.wait_dma2 semaphore(%dma_wait3A_523 : memref<!tpu.dma_semaphore, #tpu.memory_space<semaphore_mem>>) src(%dma_wait3A_529 : memref<160x64xf32, #tpu.memory_space<vmem>>) dst(%dma_wait3A_525 : memref<160x64xf32, #tpu.memory_space<hbm>>)
          %dma_wait3A_530 = arith.constant 0 : i32
          %dma_wait3A_531 = arith.constant 0 : i32
          %dma_wait3A_532 = arith.constant 0 : i32
          %dma_wait3A_533 = arith.constant 0 : i32
          %dma_wait3A_534 = tpu.memref_slice %arg9[%dma_wait3A_530, %dma_wait3A_532, %dma_wait3A_533] : memref<4x160x64xf32, #tpu.memory_space<vmem>> -> memref<1x160x64xf32, #tpu.memory_space<vmem>>
          %dma_wait3A_535 = tpu.memref_squeeze %dma_wait3A_534 : memref<1x160x64xf32, #tpu.memory_space<vmem>> -> memref<160x64xf32, #tpu.memory_space<vmem>>
          %dma_wait3A_536 = arith.constant 0 : i32
          %dma_wait3A_537 = tpu.memref_slice %arg6[%add3A_513, %dma_wait3A_536] : memref<819200x64xf32, #tpu.memory_space<hbm>> -> memref<160x64xf32, #tpu.memory_space<hbm>>
          %dma_wait3A_538 = tpu.memref_slice %arg11[%dma_wait3A_531] : memref<4x!tpu.dma_semaphore, #tpu.memory_space<semaphore_mem>> -> memref<1x!tpu.dma_semaphore, #tpu.memory_space<semaphore_mem>>
          %dma_wait3A_539 = tpu.memref_squeeze %dma_wait3A_538 : memref<1x!tpu.dma_semaphore, #tpu.memory_space<semaphore_mem>> -> memref<!tpu.dma_semaphore, #tpu.memory_space<semaphore_mem>>
          %dma_wait3A_540 = arith.constant 0 : i32
          %dma_wait3A_541 = tpu.memref_slice %arg6[%add3A_513, %dma_wait3A_540] : memref<819200x64xf32, #tpu.memory_space<hbm>> -> memref<160x64xf32, #tpu.memory_space<hbm>>
          %dma_wait3A_542 = arith.constant 0 : i32
          %dma_wait3A_543 = arith.constant 0 : i32
          %dma_wait3A_544 = tpu.memref_slice %arg9[%dma_wait3A_530, %dma_wait3A_542, %dma_wait3A_543] : memref<4x160x64xf32, #tpu.memory_space<vmem>> -> memref<1x160x64xf32, #tpu.memory_space<vmem>>
          %dma_wait3A_545 = tpu.memref_squeeze %dma_wait3A_544 : memref<1x160x64xf32, #tpu.memory_space<vmem>> -> memref<160x64xf32, #tpu.memory_space<vmem>>
          tpu.wait_dma2 semaphore(%dma_wait3A_539 : memref<!tpu.dma_semaphore, #tpu.memory_space<semaphore_mem>>) src(%dma_wait3A_545 : memref<160x64xf32, #tpu.memory_space<vmem>>) dst(%dma_wait3A_541 : memref<160x64xf32, #tpu.memory_space<hbm>>)
        } else {
        }
        %mul3A_484 = arith.constant 160 : i32
        %mul3A_485 = arith.muli %add3A_341, %mul3A_484 : i32
        %dma_start3A_486 = arith.constant 0 : i32
        %dma_start3A_487 = arith.constant 0 : i32
        %dma_start3A_488 = arith.constant 0 : i32
        %dma_start3A_489 = arith.constant 0 : i32
        %dma_start3A_490 = tpu.memref_slice %arg8[%dma_start3A_486, %dma_start3A_488, %dma_start3A_489] : memref<4x160x64xf32, #tpu.memory_space<vmem>> -> memref<1x160x64xf32, #tpu.memory_space<vmem>>
        %dma_start3A_491 = tpu.memref_squeeze %dma_start3A_490 : memref<1x160x64xf32, #tpu.memory_space<vmem>> -> memref<160x64xf32, #tpu.memory_space<vmem>>
        %dma_start3A_492 = tpu.memref_slice %arg7[%mul3A_485] : memref<25600xi32, #tpu.memory_space<vmem>> -> memref<160xi32, #tpu.memory_space<vmem>>
        %dma_start3A_493 = arith.constant 0 : i32
        %dma_start3A_494 = arith.constant 0 : i32
        %dma_start3A_495 = tpu.memref_slice %arg2[%dma_start3A_493, %dma_start3A_494] : memref<1000000x64xf32, #tpu.memory_space<hbm>> -> memref<1000000x64xf32, #tpu.memory_space<hbm>>
        %dma_start3A_496 = tpu.memref_slice %arg10[%dma_start3A_487] : memref<4x!tpu.dma_semaphore, #tpu.memory_space<semaphore_mem>> -> memref<1x!tpu.dma_semaphore, #tpu.memory_space<semaphore_mem>>
        %dma_start3A_497 = tpu.memref_squeeze %dma_start3A_496 : memref<1x!tpu.dma_semaphore, #tpu.memory_space<semaphore_mem>> -> memref<!tpu.dma_semaphore, #tpu.memory_space<semaphore_mem>>
        tpu.enqueue_indirect_dma source(%dma_start3A_495 : memref<1000000x64xf32, #tpu.memory_space<hbm>>) target(%dma_start3A_491 : memref<160x64xf32, #tpu.memory_space<vmem>>) offsets(%dma_start3A_492 : memref<160xi32, #tpu.memory_space<vmem>>) semaphore(%dma_start3A_497 : memref<!tpu.dma_semaphore, #tpu.memory_space<semaphore_mem>>)
        %dma_start3A_498 = arith.constant 0 : i32
        %dma_start3A_499 = arith.constant 0 : i32
        %dma_start3A_500 = arith.constant 0 : i32
        %dma_start3A_501 = arith.constant 0 : i32
        %dma_start3A_502 = tpu.memref_slice %arg9[%dma_start3A_498, %dma_start3A_500, %dma_start3A_501] : memref<4x160x64xf32, #tpu.memory_space<vmem>> -> memref<1x160x64xf32, #tpu.memory_space<vmem>>
        %dma_start3A_503 = tpu.memref_squeeze %dma_start3A_502 : memref<1x160x64xf32, #tpu.memory_space<vmem>> -> memref<160x64xf32, #tpu.memory_space<vmem>>
        %dma_start3A_504 = tpu.memref_slice %arg7[%mul3A_485] : memref<25600xi32, #tpu.memory_space<vmem>> -> memref<160xi32, #tpu.memory_space<vmem>>
        %dma_start3A_505 = arith.constant 0 : i32
        %dma_start3A_506 = arith.constant 0 : i32
        %dma_start3A_507 = tpu.memref_slice %arg3[%dma_start3A_505, %dma_start3A_506] : memref<1000000x64xf32, #tpu.memory_space<hbm>> -> memref<1000000x64xf32, #tpu.memory_space<hbm>>
        %dma_start3A_508 = tpu.memref_slice %arg10[%dma_start3A_499] : memref<4x!tpu.dma_semaphore, #tpu.memory_space<semaphore_mem>> -> memref<1x!tpu.dma_semaphore, #tpu.memory_space<semaphore_mem>>
        %dma_start3A_509 = tpu.memref_squeeze %dma_start3A_508 : memref<1x!tpu.dma_semaphore, #tpu.memory_space<semaphore_mem>> -> memref<!tpu.dma_semaphore, #tpu.memory_space<semaphore_mem>>
        tpu.enqueue_indirect_dma source(%dma_start3A_507 : memref<1000000x64xf32, #tpu.memory_space<hbm>>) target(%dma_start3A_503 : memref<160x64xf32, #tpu.memory_space<vmem>>) offsets(%dma_start3A_504 : memref<160xi32, #tpu.memory_space<vmem>>) semaphore(%dma_start3A_509 : memref<!tpu.dma_semaphore, #tpu.memory_space<semaphore_mem>>)
      } else {
      }
      %mul3A_347 = arith.constant 160 : i32
      %mul3A_348 = arith.muli %add3A_339, %mul3A_347 : i32
      %dma_wait3A_349 = arith.constant 2 : i32
      %dma_wait3A_350 = arith.constant 2 : i32
      %dma_wait3A_351 = arith.constant 0 : i32
      %dma_wait3A_352 = arith.constant 0 : i32
      %dma_wait3A_353 = tpu.memref_slice %arg8[%dma_wait3A_349, %dma_wait3A_351, %dma_wait3A_352] : memref<4x160x64xf32, #tpu.memory_space<vmem>> -> memref<1x160x64xf32, #tpu.memory_space<vmem>>
      %dma_wait3A_354 = tpu.memref_squeeze %dma_wait3A_353 : memref<1x160x64xf32, #tpu.memory_space<vmem>> -> memref<160x64xf32, #tpu.memory_space<vmem>>
      %dma_wait3A_355 = tpu.memref_slice %arg7[%mul3A_348] : memref<25600xi32, #tpu.memory_space<vmem>> -> memref<160xi32, #tpu.memory_space<vmem>>
      %dma_wait3A_356 = arith.constant 0 : i32
      %dma_wait3A_357 = arith.constant 0 : i32
      %dma_wait3A_358 = tpu.memref_slice %arg2[%dma_wait3A_356, %dma_wait3A_357] : memref<1000000x64xf32, #tpu.memory_space<hbm>> -> memref<1000000x64xf32, #tpu.memory_space<hbm>>
      %dma_wait3A_359 = tpu.memref_slice %arg10[%dma_wait3A_350] : memref<4x!tpu.dma_semaphore, #tpu.memory_space<semaphore_mem>> -> memref<1x!tpu.dma_semaphore, #tpu.memory_space<semaphore_mem>>
      %dma_wait3A_360 = tpu.memref_squeeze %dma_wait3A_359 : memref<1x!tpu.dma_semaphore, #tpu.memory_space<semaphore_mem>> -> memref<!tpu.dma_semaphore, #tpu.memory_space<semaphore_mem>>
      tpu.wait_indirect_dma semaphore(%dma_wait3A_360 : memref<!tpu.dma_semaphore, #tpu.memory_space<semaphore_mem>>) src(%dma_wait3A_358 : memref<1000000x64xf32, #tpu.memory_space<hbm>>) dst(%dma_wait3A_354 : memref<160x64xf32, #tpu.memory_space<vmem>>)
      %dma_wait3A_361 = arith.constant 2 : i32
      %dma_wait3A_362 = arith.constant 2 : i32
      %dma_wait3A_363 = arith.constant 0 : i32
      %dma_wait3A_364 = arith.constant 0 : i32
      %dma_wait3A_365 = tpu.memref_slice %arg9[%dma_wait3A_361, %dma_wait3A_363, %dma_wait3A_364] : memref<4x160x64xf32, #tpu.memory_space<vmem>> -> memref<1x160x64xf32, #tpu.memory_space<vmem>>
      %dma_wait3A_366 = tpu.memref_squeeze %dma_wait3A_365 : memref<1x160x64xf32, #tpu.memory_space<vmem>> -> memref<160x64xf32, #tpu.memory_space<vmem>>
      %dma_wait3A_367 = tpu.memref_slice %arg7[%mul3A_348] : memref<25600xi32, #tpu.memory_space<vmem>> -> memref<160xi32, #tpu.memory_space<vmem>>
      %dma_wait3A_368 = arith.constant 0 : i32
      %dma_wait3A_369 = arith.constant 0 : i32
      %dma_wait3A_370 = tpu.memref_slice %arg3[%dma_wait3A_368, %dma_wait3A_369] : memref<1000000x64xf32, #tpu.memory_space<hbm>> -> memref<1000000x64xf32, #tpu.memory_space<hbm>>
      %dma_wait3A_371 = tpu.memref_slice %arg10[%dma_wait3A_362] : memref<4x!tpu.dma_semaphore, #tpu.memory_space<semaphore_mem>> -> memref<1x!tpu.dma_semaphore, #tpu.memory_space<semaphore_mem>>
      %dma_wait3A_372 = tpu.memref_squeeze %dma_wait3A_371 : memref<1x!tpu.dma_semaphore, #tpu.memory_space<semaphore_mem>> -> memref<!tpu.dma_semaphore, #tpu.memory_space<semaphore_mem>>
      tpu.wait_indirect_dma semaphore(%dma_wait3A_372 : memref<!tpu.dma_semaphore, #tpu.memory_space<semaphore_mem>>) src(%dma_wait3A_370 : memref<1000000x64xf32, #tpu.memory_space<hbm>>) dst(%dma_wait3A_366 : memref<160x64xf32, #tpu.memory_space<vmem>>)
      %mul3A_373 = arith.constant 160 : i32
      %mul3A_374 = arith.muli %add3A_339, %mul3A_373 : i32
      %add3A_375 = arith.addi %mul3A_2, %mul3A_374 : i32
      %dma_start3A_376 = arith.constant 2 : i32
      %dma_start3A_377 = arith.constant 2 : i32
      %dma_start3A_378 = arith.constant 0 : i32
      %dma_start3A_379 = arith.constant 0 : i32
      %dma_start3A_380 = tpu.memref_slice %arg8[%dma_start3A_376, %dma_start3A_378, %dma_start3A_379] : memref<4x160x64xf32, #tpu.memory_space<vmem>> -> memref<1x160x64xf32, #tpu.memory_space<vmem>>
      %dma_start3A_381 = tpu.memref_squeeze %dma_start3A_380 : memref<1x160x64xf32, #tpu.memory_space<vmem>> -> memref<160x64xf32, #tpu.memory_space<vmem>>
      %dma_start3A_382 = arith.constant 0 : i32
      %dma_start3A_383 = tpu.memref_slice %arg5[%add3A_375, %dma_start3A_382] : memref<819200x64xf32, #tpu.memory_space<hbm>> -> memref<160x64xf32, #tpu.memory_space<hbm>>
      %dma_start3A_384 = tpu.memref_slice %arg11[%dma_start3A_377] : memref<4x!tpu.dma_semaphore, #tpu.memory_space<semaphore_mem>> -> memref<1x!tpu.dma_semaphore, #tpu.memory_space<semaphore_mem>>
      %dma_start3A_385 = tpu.memref_squeeze %dma_start3A_384 : memref<1x!tpu.dma_semaphore, #tpu.memory_space<semaphore_mem>> -> memref<!tpu.dma_semaphore, #tpu.memory_space<semaphore_mem>>
      %dma_start3A_386 = arith.constant 0 : i32
      %dma_start3A_387 = tpu.memref_slice %arg5[%add3A_375, %dma_start3A_386] : memref<819200x64xf32, #tpu.memory_space<hbm>> -> memref<160x64xf32, #tpu.memory_space<hbm>>
      %dma_start3A_388 = arith.constant 0 : i32
      %dma_start3A_389 = arith.constant 0 : i32
      %dma_start3A_390 = tpu.memref_slice %arg8[%dma_start3A_376, %dma_start3A_388, %dma_start3A_389] : memref<4x160x64xf32, #tpu.memory_space<vmem>> -> memref<1x160x64xf32, #tpu.memory_space<vmem>>
      %dma_start3A_391 = tpu.memref_squeeze %dma_start3A_390 : memref<1x160x64xf32, #tpu.memory_space<vmem>> -> memref<160x64xf32, #tpu.memory_space<vmem>>
      tpu.enqueue_dma source(%dma_start3A_391 : memref<160x64xf32, #tpu.memory_space<vmem>>) target(%dma_start3A_387 : memref<160x64xf32, #tpu.memory_space<hbm>>) target_semaphore(%dma_start3A_385 : memref<!tpu.dma_semaphore, #tpu.memory_space<semaphore_mem>>)
      %dma_start3A_392 = arith.constant 2 : i32
      %dma_start3A_393 = arith.constant 2 : i32
      %dma_start3A_394 = arith.constant 0 : i32
      %dma_start3A_395 = arith.constant 0 : i32
      %dma_start3A_396 = tpu.memref_slice %arg9[%dma_start3A_392, %dma_start3A_394, %dma_start3A_395] : memref<4x160x64xf32, #tpu.memory_space<vmem>> -> memref<1x160x64xf32, #tpu.memory_space<vmem>>
      %dma_start3A_397 = tpu.memref_squeeze %dma_start3A_396 : memref<1x160x64xf32, #tpu.memory_space<vmem>> -> memref<160x64xf32, #tpu.memory_space<vmem>>
      %dma_start3A_398 = arith.constant 0 : i32
      %dma_start3A_399 = tpu.memref_slice %arg6[%add3A_375, %dma_start3A_398] : memref<819200x64xf32, #tpu.memory_space<hbm>> -> memref<160x64xf32, #tpu.memory_space<hbm>>
      %dma_start3A_400 = tpu.memref_slice %arg11[%dma_start3A_393] : memref<4x!tpu.dma_semaphore, #tpu.memory_space<semaphore_mem>> -> memref<1x!tpu.dma_semaphore, #tpu.memory_space<semaphore_mem>>
      %dma_start3A_401 = tpu.memref_squeeze %dma_start3A_400 : memref<1x!tpu.dma_semaphore, #tpu.memory_space<semaphore_mem>> -> memref<!tpu.dma_semaphore, #tpu.memory_space<semaphore_mem>>
      %dma_start3A_402 = arith.constant 0 : i32
      %dma_start3A_403 = tpu.memref_slice %arg6[%add3A_375, %dma_start3A_402] : memref<819200x64xf32, #tpu.memory_space<hbm>> -> memref<160x64xf32, #tpu.memory_space<hbm>>
      %dma_start3A_404 = arith.constant 0 : i32
      %dma_start3A_405 = arith.constant 0 : i32
      %dma_start3A_406 = tpu.memref_slice %arg9[%dma_start3A_392, %dma_start3A_404, %dma_start3A_405] : memref<4x160x64xf32, #tpu.memory_space<vmem>> -> memref<1x160x64xf32, #tpu.memory_space<vmem>>
      %dma_start3A_407 = tpu.memref_squeeze %dma_start3A_406 : memref<1x160x64xf32, #tpu.memory_space<vmem>> -> memref<160x64xf32, #tpu.memory_space<vmem>>
      tpu.enqueue_dma source(%dma_start3A_407 : memref<160x64xf32, #tpu.memory_space<vmem>>) target(%dma_start3A_403 : memref<160x64xf32, #tpu.memory_space<hbm>>) target_semaphore(%dma_start3A_401 : memref<!tpu.dma_semaphore, #tpu.memory_space<semaphore_mem>>)
      %mul3A_408 = arith.constant 4 : i32
      %mul3A_409 = arith.muli %scan3A_194, %mul3A_408 : i32
      %add3A_410 = arith.constant 3 : i32
      %add3A_411 = arith.addi %mul3A_409, %add3A_410 : i32
      %add3A_412 = arith.constant 2 : i32
      %add3A_413 = arith.addi %add3A_411, %add3A_412 : i32
      %lt3A_414 = arith.constant 160 : i32
      %lt3A_415 = arith.cmpi slt, %add3A_413, %lt3A_414 : i32
      %convert_element_type3A_416 = arith.extui %lt3A_415 : i1 to i32
      %cond3A_417 = arith.constant 0 : i32
      %cond3A_418 = arith.cmpi ne, %convert_element_type3A_416, %cond3A_417 : i32
      scf.if %cond3A_418 {
        %ge3A = arith.constant 4 : i32
        %ge3A_480 = arith.cmpi sge, %add3A_413, %ge3A : i32
        %convert_element_type3A_481 = arith.extui %ge3A_480 : i1 to i32
        %cond3A_482 = arith.constant 0 : i32
        %cond3A_483 = arith.cmpi ne, %convert_element_type3A_481, %cond3A_482 : i32
        scf.if %cond3A_483 {
          %sub3A = arith.constant 4 : i32
          %sub3A_510 = arith.subi %add3A_413, %sub3A : i32
          %mul3A_511 = arith.constant 160 : i32
          %mul3A_512 = arith.muli %sub3A_510, %mul3A_511 : i32
          %add3A_513 = arith.addi %mul3A_2, %mul3A_512 : i32
          %dma_wait3A_514 = arith.constant 1 : i32
          %dma_wait3A_515 = arith.constant 1 : i32
          %dma_wait3A_516 = arith.constant 0 : i32
          %dma_wait3A_517 = arith.constant 0 : i32
          %dma_wait3A_518 = tpu.memref_slice %arg8[%dma_wait3A_514, %dma_wait3A_516, %dma_wait3A_517] : memref<4x160x64xf32, #tpu.memory_space<vmem>> -> memref<1x160x64xf32, #tpu.memory_space<vmem>>
          %dma_wait3A_519 = tpu.memref_squeeze %dma_wait3A_518 : memref<1x160x64xf32, #tpu.memory_space<vmem>> -> memref<160x64xf32, #tpu.memory_space<vmem>>
          %dma_wait3A_520 = arith.constant 0 : i32
          %dma_wait3A_521 = tpu.memref_slice %arg5[%add3A_513, %dma_wait3A_520] : memref<819200x64xf32, #tpu.memory_space<hbm>> -> memref<160x64xf32, #tpu.memory_space<hbm>>
          %dma_wait3A_522 = tpu.memref_slice %arg11[%dma_wait3A_515] : memref<4x!tpu.dma_semaphore, #tpu.memory_space<semaphore_mem>> -> memref<1x!tpu.dma_semaphore, #tpu.memory_space<semaphore_mem>>
          %dma_wait3A_523 = tpu.memref_squeeze %dma_wait3A_522 : memref<1x!tpu.dma_semaphore, #tpu.memory_space<semaphore_mem>> -> memref<!tpu.dma_semaphore, #tpu.memory_space<semaphore_mem>>
          %dma_wait3A_524 = arith.constant 0 : i32
          %dma_wait3A_525 = tpu.memref_slice %arg5[%add3A_513, %dma_wait3A_524] : memref<819200x64xf32, #tpu.memory_space<hbm>> -> memref<160x64xf32, #tpu.memory_space<hbm>>
          %dma_wait3A_526 = arith.constant 0 : i32
          %dma_wait3A_527 = arith.constant 0 : i32
          %dma_wait3A_528 = tpu.memref_slice %arg8[%dma_wait3A_514, %dma_wait3A_526, %dma_wait3A_527] : memref<4x160x64xf32, #tpu.memory_space<vmem>> -> memref<1x160x64xf32, #tpu.memory_space<vmem>>
          %dma_wait3A_529 = tpu.memref_squeeze %dma_wait3A_528 : memref<1x160x64xf32, #tpu.memory_space<vmem>> -> memref<160x64xf32, #tpu.memory_space<vmem>>
          tpu.wait_dma2 semaphore(%dma_wait3A_523 : memref<!tpu.dma_semaphore, #tpu.memory_space<semaphore_mem>>) src(%dma_wait3A_529 : memref<160x64xf32, #tpu.memory_space<vmem>>) dst(%dma_wait3A_525 : memref<160x64xf32, #tpu.memory_space<hbm>>)
          %dma_wait3A_530 = arith.constant 1 : i32
          %dma_wait3A_531 = arith.constant 1 : i32
          %dma_wait3A_532 = arith.constant 0 : i32
          %dma_wait3A_533 = arith.constant 0 : i32
          %dma_wait3A_534 = tpu.memref_slice %arg9[%dma_wait3A_530, %dma_wait3A_532, %dma_wait3A_533] : memref<4x160x64xf32, #tpu.memory_space<vmem>> -> memref<1x160x64xf32, #tpu.memory_space<vmem>>
          %dma_wait3A_535 = tpu.memref_squeeze %dma_wait3A_534 : memref<1x160x64xf32, #tpu.memory_space<vmem>> -> memref<160x64xf32, #tpu.memory_space<vmem>>
          %dma_wait3A_536 = arith.constant 0 : i32
          %dma_wait3A_537 = tpu.memref_slice %arg6[%add3A_513, %dma_wait3A_536] : memref<819200x64xf32, #tpu.memory_space<hbm>> -> memref<160x64xf32, #tpu.memory_space<hbm>>
          %dma_wait3A_538 = tpu.memref_slice %arg11[%dma_wait3A_531] : memref<4x!tpu.dma_semaphore, #tpu.memory_space<semaphore_mem>> -> memref<1x!tpu.dma_semaphore, #tpu.memory_space<semaphore_mem>>
          %dma_wait3A_539 = tpu.memref_squeeze %dma_wait3A_538 : memref<1x!tpu.dma_semaphore, #tpu.memory_space<semaphore_mem>> -> memref<!tpu.dma_semaphore, #tpu.memory_space<semaphore_mem>>
          %dma_wait3A_540 = arith.constant 0 : i32
          %dma_wait3A_541 = tpu.memref_slice %arg6[%add3A_513, %dma_wait3A_540] : memref<819200x64xf32, #tpu.memory_space<hbm>> -> memref<160x64xf32, #tpu.memory_space<hbm>>
          %dma_wait3A_542 = arith.constant 0 : i32
          %dma_wait3A_543 = arith.constant 0 : i32
          %dma_wait3A_544 = tpu.memref_slice %arg9[%dma_wait3A_530, %dma_wait3A_542, %dma_wait3A_543] : memref<4x160x64xf32, #tpu.memory_space<vmem>> -> memref<1x160x64xf32, #tpu.memory_space<vmem>>
          %dma_wait3A_545 = tpu.memref_squeeze %dma_wait3A_544 : memref<1x160x64xf32, #tpu.memory_space<vmem>> -> memref<160x64xf32, #tpu.memory_space<vmem>>
          tpu.wait_dma2 semaphore(%dma_wait3A_539 : memref<!tpu.dma_semaphore, #tpu.memory_space<semaphore_mem>>) src(%dma_wait3A_545 : memref<160x64xf32, #tpu.memory_space<vmem>>) dst(%dma_wait3A_541 : memref<160x64xf32, #tpu.memory_space<hbm>>)
        } else {
        }
        %mul3A_484 = arith.constant 160 : i32
        %mul3A_485 = arith.muli %add3A_413, %mul3A_484 : i32
        %dma_start3A_486 = arith.constant 1 : i32
        %dma_start3A_487 = arith.constant 1 : i32
        %dma_start3A_488 = arith.constant 0 : i32
        %dma_start3A_489 = arith.constant 0 : i32
        %dma_start3A_490 = tpu.memref_slice %arg8[%dma_start3A_486, %dma_start3A_488, %dma_start3A_489] : memref<4x160x64xf32, #tpu.memory_space<vmem>> -> memref<1x160x64xf32, #tpu.memory_space<vmem>>
        %dma_start3A_491 = tpu.memref_squeeze %dma_start3A_490 : memref<1x160x64xf32, #tpu.memory_space<vmem>> -> memref<160x64xf32, #tpu.memory_space<vmem>>
        %dma_start3A_492 = tpu.memref_slice %arg7[%mul3A_485] : memref<25600xi32, #tpu.memory_space<vmem>> -> memref<160xi32, #tpu.memory_space<vmem>>
        %dma_start3A_493 = arith.constant 0 : i32
        %dma_start3A_494 = arith.constant 0 : i32
        %dma_start3A_495 = tpu.memref_slice %arg2[%dma_start3A_493, %dma_start3A_494] : memref<1000000x64xf32, #tpu.memory_space<hbm>> -> memref<1000000x64xf32, #tpu.memory_space<hbm>>
        %dma_start3A_496 = tpu.memref_slice %arg10[%dma_start3A_487] : memref<4x!tpu.dma_semaphore, #tpu.memory_space<semaphore_mem>> -> memref<1x!tpu.dma_semaphore, #tpu.memory_space<semaphore_mem>>
        %dma_start3A_497 = tpu.memref_squeeze %dma_start3A_496 : memref<1x!tpu.dma_semaphore, #tpu.memory_space<semaphore_mem>> -> memref<!tpu.dma_semaphore, #tpu.memory_space<semaphore_mem>>
        tpu.enqueue_indirect_dma source(%dma_start3A_495 : memref<1000000x64xf32, #tpu.memory_space<hbm>>) target(%dma_start3A_491 : memref<160x64xf32, #tpu.memory_space<vmem>>) offsets(%dma_start3A_492 : memref<160xi32, #tpu.memory_space<vmem>>) semaphore(%dma_start3A_497 : memref<!tpu.dma_semaphore, #tpu.memory_space<semaphore_mem>>)
        %dma_start3A_498 = arith.constant 1 : i32
        %dma_start3A_499 = arith.constant 1 : i32
        %dma_start3A_500 = arith.constant 0 : i32
        %dma_start3A_501 = arith.constant 0 : i32
        %dma_start3A_502 = tpu.memref_slice %arg9[%dma_start3A_498, %dma_start3A_500, %dma_start3A_501] : memref<4x160x64xf32, #tpu.memory_space<vmem>> -> memref<1x160x64xf32, #tpu.memory_space<vmem>>
        %dma_start3A_503 = tpu.memref_squeeze %dma_start3A_502 : memref<1x160x64xf32, #tpu.memory_space<vmem>> -> memref<160x64xf32, #tpu.memory_space<vmem>>
        %dma_start3A_504 = tpu.memref_slice %arg7[%mul3A_485] : memref<25600xi32, #tpu.memory_space<vmem>> -> memref<160xi32, #tpu.memory_space<vmem>>
        %dma_start3A_505 = arith.constant 0 : i32
        %dma_start3A_506 = arith.constant 0 : i32
        %dma_start3A_507 = tpu.memref_slice %arg3[%dma_start3A_505, %dma_start3A_506] : memref<1000000x64xf32, #tpu.memory_space<hbm>> -> memref<1000000x64xf32, #tpu.memory_space<hbm>>
        %dma_start3A_508 = tpu.memref_slice %arg10[%dma_start3A_499] : memref<4x!tpu.dma_semaphore, #tpu.memory_space<semaphore_mem>> -> memref<1x!tpu.dma_semaphore, #tpu.memory_space<semaphore_mem>>
        %dma_start3A_509 = tpu.memref_squeeze %dma_start3A_508 : memref<1x!tpu.dma_semaphore, #tpu.memory_space<semaphore_mem>> -> memref<!tpu.dma_semaphore, #tpu.memory_space<semaphore_mem>>
        tpu.enqueue_indirect_dma source(%dma_start3A_507 : memref<1000000x64xf32, #tpu.memory_space<hbm>>) target(%dma_start3A_503 : memref<160x64xf32, #tpu.memory_space<vmem>>) offsets(%dma_start3A_504 : memref<160xi32, #tpu.memory_space<vmem>>) semaphore(%dma_start3A_509 : memref<!tpu.dma_semaphore, #tpu.memory_space<semaphore_mem>>)
      } else {
      }
      %mul3A_419 = arith.constant 160 : i32
      %mul3A_420 = arith.muli %add3A_411, %mul3A_419 : i32
      %dma_wait3A_421 = arith.constant 3 : i32
      %dma_wait3A_422 = arith.constant 3 : i32
      %dma_wait3A_423 = arith.constant 0 : i32
      %dma_wait3A_424 = arith.constant 0 : i32
      %dma_wait3A_425 = tpu.memref_slice %arg8[%dma_wait3A_421, %dma_wait3A_423, %dma_wait3A_424] : memref<4x160x64xf32, #tpu.memory_space<vmem>> -> memref<1x160x64xf32, #tpu.memory_space<vmem>>
      %dma_wait3A_426 = tpu.memref_squeeze %dma_wait3A_425 : memref<1x160x64xf32, #tpu.memory_space<vmem>> -> memref<160x64xf32, #tpu.memory_space<vmem>>
      %dma_wait3A_427 = tpu.memref_slice %arg7[%mul3A_420] : memref<25600xi32, #tpu.memory_space<vmem>> -> memref<160xi32, #tpu.memory_space<vmem>>
      %dma_wait3A_428 = arith.constant 0 : i32
      %dma_wait3A_429 = arith.constant 0 : i32
      %dma_wait3A_430 = tpu.memref_slice %arg2[%dma_wait3A_428, %dma_wait3A_429] : memref<1000000x64xf32, #tpu.memory_space<hbm>> -> memref<1000000x64xf32, #tpu.memory_space<hbm>>
      %dma_wait3A_431 = tpu.memref_slice %arg10[%dma_wait3A_422] : memref<4x!tpu.dma_semaphore, #tpu.memory_space<semaphore_mem>> -> memref<1x!tpu.dma_semaphore, #tpu.memory_space<semaphore_mem>>
      %dma_wait3A_432 = tpu.memref_squeeze %dma_wait3A_431 : memref<1x!tpu.dma_semaphore, #tpu.memory_space<semaphore_mem>> -> memref<!tpu.dma_semaphore, #tpu.memory_space<semaphore_mem>>
      tpu.wait_indirect_dma semaphore(%dma_wait3A_432 : memref<!tpu.dma_semaphore, #tpu.memory_space<semaphore_mem>>) src(%dma_wait3A_430 : memref<1000000x64xf32, #tpu.memory_space<hbm>>) dst(%dma_wait3A_426 : memref<160x64xf32, #tpu.memory_space<vmem>>)
      %dma_wait3A_433 = arith.constant 3 : i32
      %dma_wait3A_434 = arith.constant 3 : i32
      %dma_wait3A_435 = arith.constant 0 : i32
      %dma_wait3A_436 = arith.constant 0 : i32
      %dma_wait3A_437 = tpu.memref_slice %arg9[%dma_wait3A_433, %dma_wait3A_435, %dma_wait3A_436] : memref<4x160x64xf32, #tpu.memory_space<vmem>> -> memref<1x160x64xf32, #tpu.memory_space<vmem>>
      %dma_wait3A_438 = tpu.memref_squeeze %dma_wait3A_437 : memref<1x160x64xf32, #tpu.memory_space<vmem>> -> memref<160x64xf32, #tpu.memory_space<vmem>>
      %dma_wait3A_439 = tpu.memref_slice %arg7[%mul3A_420] : memref<25600xi32, #tpu.memory_space<vmem>> -> memref<160xi32, #tpu.memory_space<vmem>>
      %dma_wait3A_440 = arith.constant 0 : i32
      %dma_wait3A_441 = arith.constant 0 : i32
      %dma_wait3A_442 = tpu.memref_slice %arg3[%dma_wait3A_440, %dma_wait3A_441] : memref<1000000x64xf32, #tpu.memory_space<hbm>> -> memref<1000000x64xf32, #tpu.memory_space<hbm>>
      %dma_wait3A_443 = tpu.memref_slice %arg10[%dma_wait3A_434] : memref<4x!tpu.dma_semaphore, #tpu.memory_space<semaphore_mem>> -> memref<1x!tpu.dma_semaphore, #tpu.memory_space<semaphore_mem>>
      %dma_wait3A_444 = tpu.memref_squeeze %dma_wait3A_443 : memref<1x!tpu.dma_semaphore, #tpu.memory_space<semaphore_mem>> -> memref<!tpu.dma_semaphore, #tpu.memory_space<semaphore_mem>>
      tpu.wait_indirect_dma semaphore(%dma_wait3A_444 : memref<!tpu.dma_semaphore, #tpu.memory_space<semaphore_mem>>) src(%dma_wait3A_442 : memref<1000000x64xf32, #tpu.memory_space<hbm>>) dst(%dma_wait3A_438 : memref<160x64xf32, #tpu.memory_space<vmem>>)
      %mul3A_445 = arith.constant 160 : i32
      %mul3A_446 = arith.muli %add3A_411, %mul3A_445 : i32
      %add3A_447 = arith.addi %mul3A_2, %mul3A_446 : i32
      %dma_start3A_448 = arith.constant 3 : i32
      %dma_start3A_449 = arith.constant 3 : i32
      %dma_start3A_450 = arith.constant 0 : i32
      %dma_start3A_451 = arith.constant 0 : i32
      %dma_start3A_452 = tpu.memref_slice %arg8[%dma_start3A_448, %dma_start3A_450, %dma_start3A_451] : memref<4x160x64xf32, #tpu.memory_space<vmem>> -> memref<1x160x64xf32, #tpu.memory_space<vmem>>
      %dma_start3A_453 = tpu.memref_squeeze %dma_start3A_452 : memref<1x160x64xf32, #tpu.memory_space<vmem>> -> memref<160x64xf32, #tpu.memory_space<vmem>>
      %dma_start3A_454 = arith.constant 0 : i32
      %dma_start3A_455 = tpu.memref_slice %arg5[%add3A_447, %dma_start3A_454] : memref<819200x64xf32, #tpu.memory_space<hbm>> -> memref<160x64xf32, #tpu.memory_space<hbm>>
      %dma_start3A_456 = tpu.memref_slice %arg11[%dma_start3A_449] : memref<4x!tpu.dma_semaphore, #tpu.memory_space<semaphore_mem>> -> memref<1x!tpu.dma_semaphore, #tpu.memory_space<semaphore_mem>>
      %dma_start3A_457 = tpu.memref_squeeze %dma_start3A_456 : memref<1x!tpu.dma_semaphore, #tpu.memory_space<semaphore_mem>> -> memref<!tpu.dma_semaphore, #tpu.memory_space<semaphore_mem>>
      %dma_start3A_458 = arith.constant 0 : i32
      %dma_start3A_459 = tpu.memref_slice %arg5[%add3A_447, %dma_start3A_458] : memref<819200x64xf32, #tpu.memory_space<hbm>> -> memref<160x64xf32, #tpu.memory_space<hbm>>
      %dma_start3A_460 = arith.constant 0 : i32
      %dma_start3A_461 = arith.constant 0 : i32
      %dma_start3A_462 = tpu.memref_slice %arg8[%dma_start3A_448, %dma_start3A_460, %dma_start3A_461] : memref<4x160x64xf32, #tpu.memory_space<vmem>> -> memref<1x160x64xf32, #tpu.memory_space<vmem>>
      %dma_start3A_463 = tpu.memref_squeeze %dma_start3A_462 : memref<1x160x64xf32, #tpu.memory_space<vmem>> -> memref<160x64xf32, #tpu.memory_space<vmem>>
      tpu.enqueue_dma source(%dma_start3A_463 : memref<160x64xf32, #tpu.memory_space<vmem>>) target(%dma_start3A_459 : memref<160x64xf32, #tpu.memory_space<hbm>>) target_semaphore(%dma_start3A_457 : memref<!tpu.dma_semaphore, #tpu.memory_space<semaphore_mem>>)
      %dma_start3A_464 = arith.constant 3 : i32
      %dma_start3A_465 = arith.constant 3 : i32
      %dma_start3A_466 = arith.constant 0 : i32
      %dma_start3A_467 = arith.constant 0 : i32
      %dma_start3A_468 = tpu.memref_slice %arg9[%dma_start3A_464, %dma_start3A_466, %dma_start3A_467] : memref<4x160x64xf32, #tpu.memory_space<vmem>> -> memref<1x160x64xf32, #tpu.memory_space<vmem>>
      %dma_start3A_469 = tpu.memref_squeeze %dma_start3A_468 : memref<1x160x64xf32, #tpu.memory_space<vmem>> -> memref<160x64xf32, #tpu.memory_space<vmem>>
      %dma_start3A_470 = arith.constant 0 : i32
      %dma_start3A_471 = tpu.memref_slice %arg6[%add3A_447, %dma_start3A_470] : memref<819200x64xf32, #tpu.memory_space<hbm>> -> memref<160x64xf32, #tpu.memory_space<hbm>>
      %dma_start3A_472 = tpu.memref_slice %arg11[%dma_start3A_465] : memref<4x!tpu.dma_semaphore, #tpu.memory_space<semaphore_mem>> -> memref<1x!tpu.dma_semaphore, #tpu.memory_space<semaphore_mem>>
      %dma_start3A_473 = tpu.memref_squeeze %dma_start3A_472 : memref<1x!tpu.dma_semaphore, #tpu.memory_space<semaphore_mem>> -> memref<!tpu.dma_semaphore, #tpu.memory_space<semaphore_mem>>
      %dma_start3A_474 = arith.constant 0 : i32
      %dma_start3A_475 = tpu.memref_slice %arg6[%add3A_447, %dma_start3A_474] : memref<819200x64xf32, #tpu.memory_space<hbm>> -> memref<160x64xf32, #tpu.memory_space<hbm>>
      %dma_start3A_476 = arith.constant 0 : i32
      %dma_start3A_477 = arith.constant 0 : i32
      %dma_start3A_478 = tpu.memref_slice %arg9[%dma_start3A_464, %dma_start3A_476, %dma_start3A_477] : memref<4x160x64xf32, #tpu.memory_space<vmem>> -> memref<1x160x64xf32, #tpu.memory_space<vmem>>
      %dma_start3A_479 = tpu.memref_squeeze %dma_start3A_478 : memref<1x160x64xf32, #tpu.memory_space<vmem>> -> memref<160x64xf32, #tpu.memory_space<vmem>>
      tpu.enqueue_dma source(%dma_start3A_479 : memref<160x64xf32, #tpu.memory_space<vmem>>) target(%dma_start3A_475 : memref<160x64xf32, #tpu.memory_space<hbm>>) target_semaphore(%dma_start3A_473 : memref<!tpu.dma_semaphore, #tpu.memory_space<semaphore_mem>>)
    }
    %scan3A_58 = arith.constant 40 : i32
    %add3A_59 = arith.constant 24960 : i32
    %add3A_60 = arith.addi %mul3A_2, %add3A_59 : i32
    %dma_wait3A = arith.constant 0 : i32
    %dma_wait3A_61 = arith.constant 0 : i32
    %dma_wait3A_62 = arith.constant 0 : i32
    %dma_wait3A_63 = arith.constant 0 : i32
    %dma_wait3A_64 = tpu.memref_slice %arg8[%dma_wait3A, %dma_wait3A_62, %dma_wait3A_63] : memref<4x160x64xf32, #tpu.memory_space<vmem>> -> memref<1x160x64xf32, #tpu.memory_space<vmem>>
    %dma_wait3A_65 = tpu.memref_squeeze %dma_wait3A_64 : memref<1x160x64xf32, #tpu.memory_space<vmem>> -> memref<160x64xf32, #tpu.memory_space<vmem>>
    %dma_wait3A_66 = arith.constant 0 : i32
    %dma_wait3A_67 = tpu.memref_slice %arg5[%add3A_60, %dma_wait3A_66] : memref<819200x64xf32, #tpu.memory_space<hbm>> -> memref<160x64xf32, #tpu.memory_space<hbm>>
    %dma_wait3A_68 = tpu.memref_slice %arg11[%dma_wait3A_61] : memref<4x!tpu.dma_semaphore, #tpu.memory_space<semaphore_mem>> -> memref<1x!tpu.dma_semaphore, #tpu.memory_space<semaphore_mem>>
    %dma_wait3A_69 = tpu.memref_squeeze %dma_wait3A_68 : memref<1x!tpu.dma_semaphore, #tpu.memory_space<semaphore_mem>> -> memref<!tpu.dma_semaphore, #tpu.memory_space<semaphore_mem>>
    %dma_wait3A_70 = arith.constant 0 : i32
    %dma_wait3A_71 = tpu.memref_slice %arg5[%add3A_60, %dma_wait3A_70] : memref<819200x64xf32, #tpu.memory_space<hbm>> -> memref<160x64xf32, #tpu.memory_space<hbm>>
    %dma_wait3A_72 = arith.constant 0 : i32
    %dma_wait3A_73 = arith.constant 0 : i32
    %dma_wait3A_74 = tpu.memref_slice %arg8[%dma_wait3A, %dma_wait3A_72, %dma_wait3A_73] : memref<4x160x64xf32, #tpu.memory_space<vmem>> -> memref<1x160x64xf32, #tpu.memory_space<vmem>>
    %dma_wait3A_75 = tpu.memref_squeeze %dma_wait3A_74 : memref<1x160x64xf32, #tpu.memory_space<vmem>> -> memref<160x64xf32, #tpu.memory_space<vmem>>
    tpu.wait_dma2 semaphore(%dma_wait3A_69 : memref<!tpu.dma_semaphore, #tpu.memory_space<semaphore_mem>>) src(%dma_wait3A_75 : memref<160x64xf32, #tpu.memory_space<vmem>>) dst(%dma_wait3A_71 : memref<160x64xf32, #tpu.memory_space<hbm>>)
    %dma_wait3A_76 = arith.constant 0 : i32
    %dma_wait3A_77 = arith.constant 0 : i32
    %dma_wait3A_78 = arith.constant 0 : i32
    %dma_wait3A_79 = arith.constant 0 : i32
    %dma_wait3A_80 = tpu.memref_slice %arg9[%dma_wait3A_76, %dma_wait3A_78, %dma_wait3A_79] : memref<4x160x64xf32, #tpu.memory_space<vmem>> -> memref<1x160x64xf32, #tpu.memory_space<vmem>>
    %dma_wait3A_81 = tpu.memref_squeeze %dma_wait3A_80 : memref<1x160x64xf32, #tpu.memory_space<vmem>> -> memref<160x64xf32, #tpu.memory_space<vmem>>
    %dma_wait3A_82 = arith.constant 0 : i32
    %dma_wait3A_83 = tpu.memref_slice %arg6[%add3A_60, %dma_wait3A_82] : memref<819200x64xf32, #tpu.memory_space<hbm>> -> memref<160x64xf32, #tpu.memory_space<hbm>>
    %dma_wait3A_84 = tpu.memref_slice %arg11[%dma_wait3A_77] : memref<4x!tpu.dma_semaphore, #tpu.memory_space<semaphore_mem>> -> memref<1x!tpu.dma_semaphore, #tpu.memory_space<semaphore_mem>>
    %dma_wait3A_85 = tpu.memref_squeeze %dma_wait3A_84 : memref<1x!tpu.dma_semaphore, #tpu.memory_space<semaphore_mem>> -> memref<!tpu.dma_semaphore, #tpu.memory_space<semaphore_mem>>
    %dma_wait3A_86 = arith.constant 0 : i32
    %dma_wait3A_87 = tpu.memref_slice %arg6[%add3A_60, %dma_wait3A_86] : memref<819200x64xf32, #tpu.memory_space<hbm>> -> memref<160x64xf32, #tpu.memory_space<hbm>>
    %dma_wait3A_88 = arith.constant 0 : i32
    %dma_wait3A_89 = arith.constant 0 : i32
    %dma_wait3A_90 = tpu.memref_slice %arg9[%dma_wait3A_76, %dma_wait3A_88, %dma_wait3A_89] : memref<4x160x64xf32, #tpu.memory_space<vmem>> -> memref<1x160x64xf32, #tpu.memory_space<vmem>>
    %dma_wait3A_91 = tpu.memref_squeeze %dma_wait3A_90 : memref<1x160x64xf32, #tpu.memory_space<vmem>> -> memref<160x64xf32, #tpu.memory_space<vmem>>
    tpu.wait_dma2 semaphore(%dma_wait3A_85 : memref<!tpu.dma_semaphore, #tpu.memory_space<semaphore_mem>>) src(%dma_wait3A_91 : memref<160x64xf32, #tpu.memory_space<vmem>>) dst(%dma_wait3A_87 : memref<160x64xf32, #tpu.memory_space<hbm>>)
    %add3A_92 = arith.constant 25120 : i32
    %add3A_93 = arith.addi %mul3A_2, %add3A_92 : i32
    %dma_wait3A_94 = arith.constant 1 : i32
    %dma_wait3A_95 = arith.constant 1 : i32
    %dma_wait3A_96 = arith.constant 0 : i32
    %dma_wait3A_97 = arith.constant 0 : i32
    %dma_wait3A_98 = tpu.memref_slice %arg8[%dma_wait3A_94, %dma_wait3A_96, %dma_wait3A_97] : memref<4x160x64xf32, #tpu.memory_space<vmem>> -> memref<1x160x64xf32, #tpu.memory_space<vmem>>
    %dma_wait3A_99 = tpu.memref_squeeze %dma_wait3A_98 : memref<1x160x64xf32, #tpu.memory_space<vmem>> -> memref<160x64xf32, #tpu.memory_space<vmem>>
    %dma_wait3A_100 = arith.constant 0 : i32
    %dma_wait3A_101 = tpu.memref_slice %arg5[%add3A_93, %dma_wait3A_100] : memref<819200x64xf32, #tpu.memory_space<hbm>> -> memref<160x64xf32, #tpu.memory_space<hbm>>
    %dma_wait3A_102 = tpu.memref_slice %arg11[%dma_wait3A_95] : memref<4x!tpu.dma_semaphore, #tpu.memory_space<semaphore_mem>> -> memref<1x!tpu.dma_semaphore, #tpu.memory_space<semaphore_mem>>
    %dma_wait3A_103 = tpu.memref_squeeze %dma_wait3A_102 : memref<1x!tpu.dma_semaphore, #tpu.memory_space<semaphore_mem>> -> memref<!tpu.dma_semaphore, #tpu.memory_space<semaphore_mem>>
    %dma_wait3A_104 = arith.constant 0 : i32
    %dma_wait3A_105 = tpu.memref_slice %arg5[%add3A_93, %dma_wait3A_104] : memref<819200x64xf32, #tpu.memory_space<hbm>> -> memref<160x64xf32, #tpu.memory_space<hbm>>
    %dma_wait3A_106 = arith.constant 0 : i32
    %dma_wait3A_107 = arith.constant 0 : i32
    %dma_wait3A_108 = tpu.memref_slice %arg8[%dma_wait3A_94, %dma_wait3A_106, %dma_wait3A_107] : memref<4x160x64xf32, #tpu.memory_space<vmem>> -> memref<1x160x64xf32, #tpu.memory_space<vmem>>
    %dma_wait3A_109 = tpu.memref_squeeze %dma_wait3A_108 : memref<1x160x64xf32, #tpu.memory_space<vmem>> -> memref<160x64xf32, #tpu.memory_space<vmem>>
    tpu.wait_dma2 semaphore(%dma_wait3A_103 : memref<!tpu.dma_semaphore, #tpu.memory_space<semaphore_mem>>) src(%dma_wait3A_109 : memref<160x64xf32, #tpu.memory_space<vmem>>) dst(%dma_wait3A_105 : memref<160x64xf32, #tpu.memory_space<hbm>>)
    %dma_wait3A_110 = arith.constant 1 : i32
    %dma_wait3A_111 = arith.constant 1 : i32
    %dma_wait3A_112 = arith.constant 0 : i32
    %dma_wait3A_113 = arith.constant 0 : i32
    %dma_wait3A_114 = tpu.memref_slice %arg9[%dma_wait3A_110, %dma_wait3A_112, %dma_wait3A_113] : memref<4x160x64xf32, #tpu.memory_space<vmem>> -> memref<1x160x64xf32, #tpu.memory_space<vmem>>
    %dma_wait3A_115 = tpu.memref_squeeze %dma_wait3A_114 : memref<1x160x64xf32, #tpu.memory_space<vmem>> -> memref<160x64xf32, #tpu.memory_space<vmem>>
    %dma_wait3A_116 = arith.constant 0 : i32
    %dma_wait3A_117 = tpu.memref_slice %arg6[%add3A_93, %dma_wait3A_116] : memref<819200x64xf32, #tpu.memory_space<hbm>> -> memref<160x64xf32, #tpu.memory_space<hbm>>
    %dma_wait3A_118 = tpu.memref_slice %arg11[%dma_wait3A_111] : memref<4x!tpu.dma_semaphore, #tpu.memory_space<semaphore_mem>> -> memref<1x!tpu.dma_semaphore, #tpu.memory_space<semaphore_mem>>
    %dma_wait3A_119 = tpu.memref_squeeze %dma_wait3A_118 : memref<1x!tpu.dma_semaphore, #tpu.memory_space<semaphore_mem>> -> memref<!tpu.dma_semaphore, #tpu.memory_space<semaphore_mem>>
    %dma_wait3A_120 = arith.constant 0 : i32
    %dma_wait3A_121 = tpu.memref_slice %arg6[%add3A_93, %dma_wait3A_120] : memref<819200x64xf32, #tpu.memory_space<hbm>> -> memref<160x64xf32, #tpu.memory_space<hbm>>
    %dma_wait3A_122 = arith.constant 0 : i32
    %dma_wait3A_123 = arith.constant 0 : i32
    %dma_wait3A_124 = tpu.memref_slice %arg9[%dma_wait3A_110, %dma_wait3A_122, %dma_wait3A_123] : memref<4x160x64xf32, #tpu.memory_space<vmem>> -> memref<1x160x64xf32, #tpu.memory_space<vmem>>
    %dma_wait3A_125 = tpu.memref_squeeze %dma_wait3A_124 : memref<1x160x64xf32, #tpu.memory_space<vmem>> -> memref<160x64xf32, #tpu.memory_space<vmem>>
    tpu.wait_dma2 semaphore(%dma_wait3A_119 : memref<!tpu.dma_semaphore, #tpu.memory_space<semaphore_mem>>) src(%dma_wait3A_125 : memref<160x64xf32, #tpu.memory_space<vmem>>) dst(%dma_wait3A_121 : memref<160x64xf32, #tpu.memory_space<hbm>>)
    %add3A_126 = arith.constant 25280 : i32
    %add3A_127 = arith.addi %mul3A_2, %add3A_126 : i32
    %dma_wait3A_128 = arith.constant 2 : i32
    %dma_wait3A_129 = arith.constant 2 : i32
    %dma_wait3A_130 = arith.constant 0 : i32
    %dma_wait3A_131 = arith.constant 0 : i32
    %dma_wait3A_132 = tpu.memref_slice %arg8[%dma_wait3A_128, %dma_wait3A_130, %dma_wait3A_131] : memref<4x160x64xf32, #tpu.memory_space<vmem>> -> memref<1x160x64xf32, #tpu.memory_space<vmem>>
    %dma_wait3A_133 = tpu.memref_squeeze %dma_wait3A_132 : memref<1x160x64xf32, #tpu.memory_space<vmem>> -> memref<160x64xf32, #tpu.memory_space<vmem>>
    %dma_wait3A_134 = arith.constant 0 : i32
    %dma_wait3A_135 = tpu.memref_slice %arg5[%add3A_127, %dma_wait3A_134] : memref<819200x64xf32, #tpu.memory_space<hbm>> -> memref<160x64xf32, #tpu.memory_space<hbm>>
    %dma_wait3A_136 = tpu.memref_slice %arg11[%dma_wait3A_129] : memref<4x!tpu.dma_semaphore, #tpu.memory_space<semaphore_mem>> -> memref<1x!tpu.dma_semaphore, #tpu.memory_space<semaphore_mem>>
    %dma_wait3A_137 = tpu.memref_squeeze %dma_wait3A_136 : memref<1x!tpu.dma_semaphore, #tpu.memory_space<semaphore_mem>> -> memref<!tpu.dma_semaphore, #tpu.memory_space<semaphore_mem>>
    %dma_wait3A_138 = arith.constant 0 : i32
    %dma_wait3A_139 = tpu.memref_slice %arg5[%add3A_127, %dma_wait3A_138] : memref<819200x64xf32, #tpu.memory_space<hbm>> -> memref<160x64xf32, #tpu.memory_space<hbm>>
    %dma_wait3A_140 = arith.constant 0 : i32
    %dma_wait3A_141 = arith.constant 0 : i32
    %dma_wait3A_142 = tpu.memref_slice %arg8[%dma_wait3A_128, %dma_wait3A_140, %dma_wait3A_141] : memref<4x160x64xf32, #tpu.memory_space<vmem>> -> memref<1x160x64xf32, #tpu.memory_space<vmem>>
    %dma_wait3A_143 = tpu.memref_squeeze %dma_wait3A_142 : memref<1x160x64xf32, #tpu.memory_space<vmem>> -> memref<160x64xf32, #tpu.memory_space<vmem>>
    tpu.wait_dma2 semaphore(%dma_wait3A_137 : memref<!tpu.dma_semaphore, #tpu.memory_space<semaphore_mem>>) src(%dma_wait3A_143 : memref<160x64xf32, #tpu.memory_space<vmem>>) dst(%dma_wait3A_139 : memref<160x64xf32, #tpu.memory_space<hbm>>)
    %dma_wait3A_144 = arith.constant 2 : i32
    %dma_wait3A_145 = arith.constant 2 : i32
    %dma_wait3A_146 = arith.constant 0 : i32
    %dma_wait3A_147 = arith.constant 0 : i32
    %dma_wait3A_148 = tpu.memref_slice %arg9[%dma_wait3A_144, %dma_wait3A_146, %dma_wait3A_147] : memref<4x160x64xf32, #tpu.memory_space<vmem>> -> memref<1x160x64xf32, #tpu.memory_space<vmem>>
    %dma_wait3A_149 = tpu.memref_squeeze %dma_wait3A_148 : memref<1x160x64xf32, #tpu.memory_space<vmem>> -> memref<160x64xf32, #tpu.memory_space<vmem>>
    %dma_wait3A_150 = arith.constant 0 : i32
    %dma_wait3A_151 = tpu.memref_slice %arg6[%add3A_127, %dma_wait3A_150] : memref<819200x64xf32, #tpu.memory_space<hbm>> -> memref<160x64xf32, #tpu.memory_space<hbm>>
    %dma_wait3A_152 = tpu.memref_slice %arg11[%dma_wait3A_145] : memref<4x!tpu.dma_semaphore, #tpu.memory_space<semaphore_mem>> -> memref<1x!tpu.dma_semaphore, #tpu.memory_space<semaphore_mem>>
    %dma_wait3A_153 = tpu.memref_squeeze %dma_wait3A_152 : memref<1x!tpu.dma_semaphore, #tpu.memory_space<semaphore_mem>> -> memref<!tpu.dma_semaphore, #tpu.memory_space<semaphore_mem>>
    %dma_wait3A_154 = arith.constant 0 : i32
    %dma_wait3A_155 = tpu.memref_slice %arg6[%add3A_127, %dma_wait3A_154] : memref<819200x64xf32, #tpu.memory_space<hbm>> -> memref<160x64xf32, #tpu.memory_space<hbm>>
    %dma_wait3A_156 = arith.constant 0 : i32
    %dma_wait3A_157 = arith.constant 0 : i32
    %dma_wait3A_158 = tpu.memref_slice %arg9[%dma_wait3A_144, %dma_wait3A_156, %dma_wait3A_157] : memref<4x160x64xf32, #tpu.memory_space<vmem>> -> memref<1x160x64xf32, #tpu.memory_space<vmem>>
    %dma_wait3A_159 = tpu.memref_squeeze %dma_wait3A_158 : memref<1x160x64xf32, #tpu.memory_space<vmem>> -> memref<160x64xf32, #tpu.memory_space<vmem>>
    tpu.wait_dma2 semaphore(%dma_wait3A_153 : memref<!tpu.dma_semaphore, #tpu.memory_space<semaphore_mem>>) src(%dma_wait3A_159 : memref<160x64xf32, #tpu.memory_space<vmem>>) dst(%dma_wait3A_155 : memref<160x64xf32, #tpu.memory_space<hbm>>)
    %add3A_160 = arith.constant 25440 : i32
    %add3A_161 = arith.addi %mul3A_2, %add3A_160 : i32
    %dma_wait3A_162 = arith.constant 3 : i32
    %dma_wait3A_163 = arith.constant 3 : i32
    %dma_wait3A_164 = arith.constant 0 : i32
    %dma_wait3A_165 = arith.constant 0 : i32
    %dma_wait3A_166 = tpu.memref_slice %arg8[%dma_wait3A_162, %dma_wait3A_164, %dma_wait3A_165] : memref<4x160x64xf32, #tpu.memory_space<vmem>> -> memref<1x160x64xf32, #tpu.memory_space<vmem>>
    %dma_wait3A_167 = tpu.memref_squeeze %dma_wait3A_166 : memref<1x160x64xf32, #tpu.memory_space<vmem>> -> memref<160x64xf32, #tpu.memory_space<vmem>>
    %dma_wait3A_168 = arith.constant 0 : i32
    %dma_wait3A_169 = tpu.memref_slice %arg5[%add3A_161, %dma_wait3A_168] : memref<819200x64xf32, #tpu.memory_space<hbm>> -> memref<160x64xf32, #tpu.memory_space<hbm>>
    %dma_wait3A_170 = tpu.memref_slice %arg11[%dma_wait3A_163] : memref<4x!tpu.dma_semaphore, #tpu.memory_space<semaphore_mem>> -> memref<1x!tpu.dma_semaphore, #tpu.memory_space<semaphore_mem>>
    %dma_wait3A_171 = tpu.memref_squeeze %dma_wait3A_170 : memref<1x!tpu.dma_semaphore, #tpu.memory_space<semaphore_mem>> -> memref<!tpu.dma_semaphore, #tpu.memory_space<semaphore_mem>>
    %dma_wait3A_172 = arith.constant 0 : i32
    %dma_wait3A_173 = tpu.memref_slice %arg5[%add3A_161, %dma_wait3A_172] : memref<819200x64xf32, #tpu.memory_space<hbm>> -> memref<160x64xf32, #tpu.memory_space<hbm>>
    %dma_wait3A_174 = arith.constant 0 : i32
    %dma_wait3A_175 = arith.constant 0 : i32
    %dma_wait3A_176 = tpu.memref_slice %arg8[%dma_wait3A_162, %dma_wait3A_174, %dma_wait3A_175] : memref<4x160x64xf32, #tpu.memory_space<vmem>> -> memref<1x160x64xf32, #tpu.memory_space<vmem>>
    %dma_wait3A_177 = tpu.memref_squeeze %dma_wait3A_176 : memref<1x160x64xf32, #tpu.memory_space<vmem>> -> memref<160x64xf32, #tpu.memory_space<vmem>>
    tpu.wait_dma2 semaphore(%dma_wait3A_171 : memref<!tpu.dma_semaphore, #tpu.memory_space<semaphore_mem>>) src(%dma_wait3A_177 : memref<160x64xf32, #tpu.memory_space<vmem>>) dst(%dma_wait3A_173 : memref<160x64xf32, #tpu.memory_space<hbm>>)
    %dma_wait3A_178 = arith.constant 3 : i32
    %dma_wait3A_179 = arith.constant 3 : i32
    %dma_wait3A_180 = arith.constant 0 : i32
    %dma_wait3A_181 = arith.constant 0 : i32
    %dma_wait3A_182 = tpu.memref_slice %arg9[%dma_wait3A_178, %dma_wait3A_180, %dma_wait3A_181] : memref<4x160x64xf32, #tpu.memory_space<vmem>> -> memref<1x160x64xf32, #tpu.memory_space<vmem>>
    %dma_wait3A_183 = tpu.memref_squeeze %dma_wait3A_182 : memref<1x160x64xf32, #tpu.memory_space<vmem>> -> memref<160x64xf32, #tpu.memory_space<vmem>>
    %dma_wait3A_184 = arith.constant 0 : i32
    %dma_wait3A_185 = tpu.memref_slice %arg6[%add3A_161, %dma_wait3A_184] : memref<819200x64xf32, #tpu.memory_space<hbm>> -> memref<160x64xf32, #tpu.memory_space<hbm>>
    %dma_wait3A_186 = tpu.memref_slice %arg11[%dma_wait3A_179] : memref<4x!tpu.dma_semaphore, #tpu.memory_space<semaphore_mem>> -> memref<1x!tpu.dma_semaphore, #tpu.memory_space<semaphore_mem>>
    %dma_wait3A_187 = tpu.memref_squeeze %dma_wait3A_186 : memref<1x!tpu.dma_semaphore, #tpu.memory_space<semaphore_mem>> -> memref<!tpu.dma_semaphore, #tpu.memory_space<semaphore_mem>>
    %dma_wait3A_188 = arith.constant 0 : i32
    %dma_wait3A_189 = tpu.memref_slice %arg6[%add3A_161, %dma_wait3A_188] : memref<819200x64xf32, #tpu.memory_space<hbm>> -> memref<160x64xf32, #tpu.memory_space<hbm>>
    %dma_wait3A_190 = arith.constant 0 : i32
    %dma_wait3A_191 = arith.constant 0 : i32
    %dma_wait3A_192 = tpu.memref_slice %arg9[%dma_wait3A_178, %dma_wait3A_190, %dma_wait3A_191] : memref<4x160x64xf32, #tpu.memory_space<vmem>> -> memref<1x160x64xf32, #tpu.memory_space<vmem>>
    %dma_wait3A_193 = tpu.memref_squeeze %dma_wait3A_192 : memref<1x160x64xf32, #tpu.memory_space<vmem>> -> memref<160x64xf32, #tpu.memory_space<vmem>>
    tpu.wait_dma2 semaphore(%dma_wait3A_187 : memref<!tpu.dma_semaphore, #tpu.memory_space<semaphore_mem>>) src(%dma_wait3A_193 : memref<160x64xf32, #tpu.memory_space<vmem>>) dst(%dma_wait3A_189 : memref<160x64xf32, #tpu.memory_space<hbm>>)
    return
  }
}

module attributes {stable_mosaic.version = 14 : i64} {
  func.func @body(%arg0: i32, %arg1: memref<2000x64xf32, #tpu.memory_space<vmem>>, %arg2: memref<1000x128xf32, #tpu.memory_space<vmem>>) attributes {dimension_semantics = [#tpu.dimension_semantics<arbitrary>], iteration_bounds = array<i64: 500>, scalar_prefetch = 0 : i64, scratch_operands = 0 : i64, tpu.core_type = #tpu.core_type<tc>, window_params = [{transform_indices = @transform_0, window_bounds = array<i64: 2000, 64>}, {transform_indices = @transform_1, window_bounds = array<i64: 1000, 128>}]} {
    %get3A = arith.constant 0 : index
    %get3A_0 = arith.constant 0 : index
    %get3A_1 = tpu.strided_load %arg1[%get3A, %get3A_0] {strides = array<i32: 2, 1>} : memref<2000x64xf32, #tpu.memory_space<vmem>>, vector<1000x64xf32>
    %get3A_2 = arith.constant 1 : index
    %get3A_3 = arith.constant 0 : index
    %get3A_4 = tpu.strided_load %arg1[%get3A_2, %get3A_3] {strides = array<i32: 2, 1>} : memref<2000x64xf32, #tpu.memory_space<vmem>>, vector<1000x64xf32>
    %concatenate3A = tpu.concatenate %get3A_1, %get3A_4 in 1 : vector<1000x64xf32>, vector<1000x64xf32> -> vector<1000x128xf32>
    %swap3A = arith.constant 0 : index
    %swap3A_5 = arith.constant 0 : index
    %swap3A_6 = vector.load %arg2[%swap3A, %swap3A_5] : memref<1000x128xf32, #tpu.memory_space<vmem>>, vector<1000x128xf32>
    tpu.vector_store %arg2[%swap3A, %swap3A_5], %concatenate3A {strides = array<i32>} : memref<1000x128xf32, #tpu.memory_space<vmem>>, vector<1000x128xf32>,
    return
  }
  func.func @transform_0(%arg0: i32) -> (i32, i32) {
    %c0_i32 = arith.constant 0 : i32
    %c0_i32_0 = arith.constant 0 : i32
    return %arg0, %c0_i32 : i32, i32
  }
  func.func @transform_1(%arg0: i32) -> (i32, i32) {
    %c0_i32 = arith.constant 0 : i32
    %c0_i32_0 = arith.constant 0 : i32
    return %arg0, %c0_i32 : i32, i32
  }
}

</mosaic_0001>

<sc_bundles>
// kernel: kernel.5.cloned.1.call-start
scs
__scs_entry_jumppad:
0x0: {  	(pc) =	sbr.rel $0x88, $3  }
0x1: {  	(tag) =	ssettag $0x0;
	lr =	simm.s32 $0x1  }
0x2: {  	[smem:$0x3F9E] =	sst lr;
	_ =	strace $0xD0000000  }
0x3: {  	_ = 	snop  }
0x4: {  	_ = 	snop  }
0x5: {  	_ = 	snop  }
0x6: {  	_ = 	snop  }
0x7: {  	_ = 	snop  }
__scs_overlays_trampoline_lowered:
0x8: {  	[smem:$0x3FAD] =	sst s0  }
0x9: {  	[smem:$0x3FAE] =	sst s1  }
0xa: {  	[smem:$0x3FAF] =	sst s2  }
0xb: {  	[smem:$0x3FB0] =	sst s3  }
0xc: {  	[smem:$0x3FB1] =	sst s4  }
0xd: {  	[smem:$0x3FB2] =	sst s5  }
0xe: {  	[smem:$0x3FB3] =	sst s6  }
0xf: {  	[smem:$0x3FB4] =	sst s7  }
0x10: {  	[smem:$0x3FB5] =	sst s8  }
0x11: {  	[smem:$0x3FB6] =	sst s9;
	s0 =	simm.s32 @!p0 $0x0  }
0x12: {  	s1 =	sld [smem:$0x3F9C];
	s0 =	simm.s32 @p0 $0x1  }
0x13: {  	[smem:$0x3FB7] =	sst s0;
	s0 =	simm.s32 @!p1 $0x0  }
0x14: {  	s2 =	sld [smem:$0x3F9B];
	s0 =	simm.s32 @p1 $0x1  }
0x15: {  	[smem:$0x3FB8] =	sst s0;
	s0 =	simm.s32 @!p2 $0x0  }
0x16: {  	s3 =	sld [smem:$0x3FDB];
	s0 =	simm.s32 @p2 $0x1  }
0x17: {  	s4 =	simm.s32 $0x1BF5;
	[smem:$0x3FBA] =	sst s0  }
0x18: {  	s0 =	sld [smem:$0x3F9D];
	_ =	swait.ge [sflag:s4], $0x0  }
0x19: {  	s7 =	sld [smem:$0x3F9E]  }
0x1a: {  	s8 =	sadd.s32 $0xFFFFE003, lr  }
0x1b: {  	s9 =	sadd.s32 $0xFFFFFEF7, lr;
	s5 =	simm.s32 $0xFFFFFFFF;
	p2 =	slt.u32 s8, $0xFFFFF086  }
0x1c: {  	p1 =	slt.u32 s9, $0xF7A;
	s5 =	simm.s32 @!p2 $0x0  }
0x1d: {  	s5 =	simm.s32 @p1 $0x1;
	p0 =	seq.s32 s7, s2  }
0x1e: {  	s7 =	smul.u32 @!p0 $0xF7A, s2;
	p2 =	seq.s32 @!p0 s5, $0x0  }
0x1f: {  	s9 =	smul.u32 $0xF7A, s1;
	s8 =	simm.s32 @!p0 $0x1BF5;
	p2 =	por !p2, p0  }
0x20: {  	[sflag:s8] =	ssyncset.s32 @!p0 $0xFFFFF086;
	s6 =	sadd.s32 @!p0 s3, s7;
	s7 =	simm.s32 @!p0 $0x108  }
0x21: {  	s3 =	sadd.s32 s3, s9;
	s6 =	sadd.s32 @!p0 $0x88, s6;
	s7 =	simm.s32 @p2 $0x1082  }
0x22: {  	[simem:s7], [sflag:s8] =	dma.local @!p0 [hbm:s6], $0xF7A  }
0x23: {  	s9 =	sor.u32 $0xD0000000, s2;
	s6 =	simm.s32 $0x108;
	_ =	swait.ge @!p0 [sflag:s8], $0x0  }
0x24: {  	s3 =	sadd.s32 $0x88, s3;
	s6 =	simm.s32 @!p1 $0x1082;
	[sflag:s4] =	ssyncset.s32 $0xFFFFF086  }
0x25: {  	[simem:s6], [sflag:s4] =	dma.local [hbm:s3], $0xF7A  }
0x26: {  	[smem:$0x3F9E] =	sst s1;
	(tag) =	ssettag s2;
	_ =	strace s9  }
0x27: {  	s1 =	sld [smem:$0x3FAE]  }
0x28: {  	s2 =	sld [smem:$0x3FAF]  }
0x29: {  	s4 =	sld [smem:$0x3FB1]  }
0x2a: {  	p0 =	seq.s32 s5, $0x0;
	s5 =	sld [smem:$0x3FB2]  }
0x2b: {  	s6 =	sld [smem:$0x3FB3]  }
0x2c: {  	s7 =	sld [smem:$0x3FB4]  }
0x2d: {  	s3 =	simm.s32 $0x108;
	s8 =	sld [smem:$0x3FB5]  }
0x2e: {  	s3 =	simm.s32 @!p0 $0x1082;
	s9 =	sld [smem:$0x3FB6]  }
0x2f: {  	lr =	sadd.s32 s0, s3;
	s0 =	sld [smem:$0x3FAD]  }
0x30: {  	s3 =	sld [smem:$0x3FB0]  }
0x31: {  	[smem:$0x3FB9] =	sst s10  }
0x32: {  	s10 =	sld [smem:$0x3FB7];
	_ =	sdelay $0x3  }
0x33: {  	p0 =	seq.s32 s10, $0x1;
	s10 =	sld [smem:$0x3FB9];
	_ =	sdelay $0x3  }
0x34: {  	[smem:$0x3FB9] =	sst s10  }
0x35: {  	s10 =	sld [smem:$0x3FB8];
	_ =	sdelay $0x3  }
0x36: {  	p1 =	seq.s32 s10, $0x1;
	s10 =	sld [smem:$0x3FB9];
	_ =	sdelay $0x3  }
0x37: {  	[smem:$0x3FB9] =	sst s10  }
0x38: {  	s10 =	sld [smem:$0x3FBA]  }
0x39: {  	_ = 	snop;
	(pc) =	sbr.ind lr, $3  }
0x3a: {  	_ = 	snop  }
0x3b: {  	_ = 	snop  }
0x3c: {  	p2 =	seq.s32 s10, $0x1;
	s10 =	sld [smem:$0x3FB9]  }
0x3d: {  	_ =	shalt  }
0x3e: {  	_ =	shalt  }
0x3f: {  	_ =	shalt  }
0x40: {  	_ =	shalt  }
0x41: {  	_ =	shalt  }
0x42: {  	_ =	shalt  }
0x43: {  	_ =	shalt  }
0x44: {  	_ =	shalt  }
0x45: {  	_ =	shalt  }
0x46: {  	_ =	shalt  }
0x47: {  	_ =	shalt  }
0x48: {  	_ =	shalt  }
0x49: {  	_ =	shalt  }
0x4a: {  	_ =	shalt  }
0x4b: {  	_ =	shalt  }
0x4c: {  	_ =	shalt  }
0x4d: {  	_ =	shalt  }
0x4e: {  	_ =	shalt  }
0x4f: {  	_ =	shalt  }
0x50: {  	_ =	shalt  }
0x51: {  	_ =	shalt  }
0x52: {  	_ =	shalt  }
0x53: {  	_ =	shalt  }
0x54: {  	_ =	shalt  }
0x55: {  	_ =	shalt  }
0x56: {  	_ =	shalt  }
0x57: {  	_ =	shalt  }
0x58: {  	_ =	shalt  }
0x59: {  	_ =	shalt  }
0x5a: {  	_ =	shalt  }
0x5b: {  	_ =	shalt  }
0x5c: {  	_ =	shalt  }
0x5d: {  	_ =	shalt  }
0x5e: {  	_ =	shalt  }
0x5f: {  	_ =	shalt  }
0x60: {  	_ =	shalt  }
0x61: {  	_ =	shalt  }
0x62: {  	_ =	shalt  }
0x63: {  	_ =	shalt  }
0x64: {  	_ =	shalt  }
0x65: {  	_ =	shalt  }
0x66: {  	_ =	shalt  }
0x67: {  	_ =	shalt  }
0x68: {  	_ =	shalt  }
0x69: {  	_ =	shalt  }
0x6a: {  	_ =	shalt  }
0x6b: {  	_ =	shalt  }
0x6c: {  	_ =	shalt  }
0x6d: {  	_ =	shalt  }
0x6e: {  	_ =	shalt  }
0x6f: {  	_ =	shalt  }
0x70: {  	_ =	shalt  }
0x71: {  	_ =	shalt  }
0x72: {  	_ =	shalt  }
0x73: {  	_ =	shalt  }
0x74: {  	_ =	shalt  }
0x75: {  	_ =	shalt  }
0x76: {  	_ =	shalt  }
0x77: {  	_ =	shalt  }
0x78: {  	_ =	shalt  }
0x79: {  	_ =	shalt  }
0x7a: {  	_ =	shalt  }
0x7b: {  	_ =	shalt  }
0x7c: {  	_ =	shalt  }
0x7d: {  	_ =	shalt  }
0x7e: {  	_ =	shalt  }
0x7f: {  	_ =	shalt  }
0x80: {  	_ =	shalt  }
0x81: {  	_ =	shalt  }
0x82: {  	_ =	shalt  }
0x83: {  	_ =	shalt  }
0x84: {  	_ =	shalt  }
0x85: {  	_ =	shalt  }
0x86: {  	_ =	shalt  }
0x87: {  	_ =	shalt  }
.Lfunc_end0:
.L_simem_size_0:
called_computation.2_lowered:
.L_overlay_start_0:
0x88: {  	s2 =	sld [smem:$0x3FD9]  }
0x89: {  	s3 =	sld [smem:$0x3FFE];
	_ =	sdelay $0x1  }
0x8a: {  	s1 =	srdreg.scid  }
0x8b: {  	s0 =	sand.u32 $0x1, s1  }
0x8c: {  	s14 =	sshll.u32 s0, $0xA;
	s2 =	sadd.s32 s3, s2  }
0x8d: {  	s2 =	sadd.s32 s2, s14  }
0x8e: {  	[smem:$0x3FC5] =	sst s2  }
0x8f: {  	_ = 	snop  }
0x90: {  	s2 =	sld [smem:$0x3FD0];
	_ =	sdelay $0x2  }
0x91: {  	s15 =	simm.s32 $0xB;
	s4 =	simm.s32 $0x10  }
0x92: {  	[smem:s4], [sflag:s15] =	dma.local [hbm:s2], $0x1  }
0x93: {  	_ =	swait.eq [sflag:s15], $0x1  }
0x94: {  	[sflag:s15] =	ssyncset.done $0x0  }
0x95: {  	s16 =	sld [smem:$0x10];
	[sflag:s15] =	ssyncadd.s32 $0xFFFFFFFF  }
0x96: {  	s17 =	sld [smem:$0x11];
	(tm) =	ssettm $0x1  }
0x97: {  	s18 =	sld [smem:$0x3FFB];
	_ =	sdelay $0x3  }
0x98: {  	_ =	strace s18  }
0x99: {  	s4 =	sld [smem:$0x3FFC];
	_ =	sdelay $0x3  }
0x9a: {  	_ =	strace s4  }
0x9b: {  	s4 =	sld [smem:$0x3FFD];
	_ =	sdelay $0x3  }
0x9c: {  	_ =	strace s4  }
0x9d: {  	_ =	strace $0x8FFFFFFF  }
0x9e: {  	s19 =	sld [smem:$0x3FDB];
	_ =	sdelay $0x1  }
0x9f: {  	s5 =	simm.s32 $_scs_section_size  }
0xa0: {  	s6 =	simm.s32 $_size__tile_overlayer_lowered;
	s7 =	simm.s32 $_tile_overlayer_lowered  }
0xa1: {  	s22 =	simm.s32 $0x1BFF;
	s21 =	sshll.u32 s7, $0x1;
	s4 =	sadd.s32 s5, s19  }
0xa2: {  	s8 =	simm.s32 $0x0;
	s20 =	sshll.u32 s6, $0x1;
	s6 =	sadd.s32 s21, s4  }
0xa3: {  	[timem:s8], [sflag:s22] =	dma.local [hbm:s6], s20  }
0xa4: {  	_ =	swait.ge [sflag:s22], s20  }
0xa5: {  	s5 =	ssub.s32 $0x0, s20;
	[sflag:s22] =	ssyncset.done $0x0  }
0xa6: {  	[sflag:s22] =	ssyncadd.s32 s5;
	_ =	sdelay $0x1  }
0xa7: {  	s23 =	simm.s32 $0x1B8B  }
0xa8: {  	_ =	swait.ge [sflag:s23], $0x1  }
0xa9: {  	[sflag:s23] =	ssyncset.done $0x0  }
0xaa: {  	s25 =	simm.s32 $0x1B8E;
	s24 =	sld [smem:$0x3FFE];
	[sflag:s23] =	ssyncadd.s32 $0xFFFFFFFF  }
0xab: {  	s26 =	simm.s32 $execute0_lowered;
	[smem:$0x3FD2] =	sst s25  }
0xac: {  	s6 =	sshll.u32 s26, $0x1;
	_ =	strace $0x80000046;
	[dreg:$0x1] =	wrdreg $0xFFFFFFFF  }
0xad: {  	s28 =	simm.s32 $_size_execute0_lowered;
	s4 =	sadd.s32 s4, s6;
	[dreg:$0x0] =	wrdreg $0x0  }
0xae: {  	s6 =	sshll.u32 s28, $0x1;
	[dreg:$0x2] =	wrdreg s4  }
0xaf: {  	[dreg:$0x3] =	wrdreg s6  }
0xb0: {  	[dreg:$0x4] =	wrdreg $0xC0  }
0xb1: {  	_ =	task [dreg:s8], $0x5FFFF  }
0xb2: {  	[dreg:$0x1] =	wrdreg $0xFFFFFFFF  }
0xb3: {  	[dreg:$0x0] =	wrdreg $0x60  }
0xb4: {  	[dreg:$0x2] =	wrdreg s24  }
0xb5: {  	[dreg:$0x3] =	wrdreg s16  }
0xb6: {  	[dreg:$0x4] =	wrdreg s17  }
0xb7: {  	[dreg:$0x5] =	wrdreg $0x9  }
0xb8: {  	_ =	task.clear_ibuf [dreg:s8], $0x6FFFF;
	_ =	strace $0x90000046  }
0xb9: {  	s29 =	simm.s32 $0x9;
	_ =	strace $0x80000048  }
0xba: {  	_ =	swait.ge [sflag:s29], $0x1  }
0xbb: {  	[sflag:s29] =	ssyncadd.s32 $0xFFFFFFFF  }
0xbc: {  	_ =	strace $0x90000048  }
0xbd: {  	_ =	sfence  }
0xbe: {  	s30 =	sld [smem:$0x0];
	_ =	sdelay $0x2  }
0xbf: {  	s31 =	sshll.u32 s1, $0xD;
	s1 =	sshrl.u32 s1, $0x2  }
0xc0: {  	s3 =	sand.u32 $0x4000, s31;
	s1 =	sadd.s32 s1, s30  }
0xc1: {  	s0 =	sor.u32 s3, s0;
	s1 =	sshll.u32 s1, $0x11  }
0xc2: {  	s0 =	sor.u32 s1, s0  }
0xc3: {  	s0 =	sadd.s32 $0x8F2B, s0  }
0xc4: {  	[sflag:s0] =	ssyncadd.remote.s32 $0x1  }
0xc5: {  	_ =	sfence.sel $0xFFFF  }
0xc6: {  	[dreg:$0x0] =	wrdreg $0xFFFFFFFF;
	(pc) =	sbr.abs _section_cstart, $3  }
0xc7: {  	[dreg:$0x1] =	wrdreg $0xFFFFFFFF  }
0xc8: {  	_ =	task.clear_ibuf [dreg:s8], $0x2FFFF;
	_ =	strace $0x9FFFFFFF  }
0xc9: {  	(tm) =	ssettm $0x7FFFFFFF  }
tec
execute0_lowered:
.L_overlay_start_1:
0x0: {  	(tag) =	ssettag $0x1  }
0x1: {  	s5 =	rddreg [dreg:$0x0]  }
0x2: {  	s6 =	rddreg [dreg:$0x1]  }
0x3: {  	s7 =	rddreg [dreg:$0x2]  }
0x4: {  	s2 =	srdreg.scid;
	s0 =	stileid.u32  }
0x5: {  	s14 =	simm.s32 $0x15400;
	s15 =	simm.s32 $0x1;
	s16 =	simm.s32 $0xDC00  }
0x6: {  	s17 =	simm.s32 $0x17C00;
	s18 =	simm.s32 $0x2;
	s4 =	smul.u32 $0xC800, s0  }
0x7: {  	s19 =	simm.s32 $0x3;
	s8 =	sand.u32 $0x1, s2;
	s11 =	smul.u32 $0x64000, s0  }
0x8: {  	s3 =	sshll.u32 s0, $0x1;
	s2 =	simm.s32 $0x0;
	s9 =	smul.u32 $0x6400, s8  }
0x9: {  	s3 =	sor.u32 s8, s3;
	s12 =	ssub.s32 $0x2, s8;
	s8 =	smul.u32 $0x32000, s8  }
0xa: {  	s20 =	simm.s32 $0x4;
	[smem:$0x7FF] =	sst s2;
	s10 =	smul.u32 $0x6400, s3  }
0xb: {  	s21 =	simm.s32 $0x5;
	_ =	strace $0x80000047;
	s3 =	sadd.s32 $0x16E4800, s5  }
0xc: {  	s23 =	sadd.s32 s11, s7;
	s11 =	sadd.s32 s11, s6;
	s26 =	sshrl.u32 s12, $0x1  }
0xd: {  	s9 =	sadd.s32 s9, s4;
	s4 =	sadd.s32 $0xF43600, s5;
	s24 =	sadd.s32 s8, s23  }
0xe: {  	s8 =	sadd.s32 s8, s11;
	s30 =	ssub.s32 s12, s26;
	s11 =	simm.s32 $0x8C00  }
0xf: {  	s12 =	simm.s32 $0x12C00;
	s23 =	simm.s32 $0x7;
	s9 =	sshll.u32 s9, $0x3  }
0x10: {  	s10 =	sshrl.u32 s10, $0x3;
	[dreg:$0x6] =	wrdreg s24;
	s22 =	sor.u32 $0x500, s9  }
0x11: {  	[dreg:$0x7] =	wrdreg s8;
	s5 =	sadd.s32 s10, s5;
	s13 =	sadd.s32 s22, s6  }
0x12: {  	s25 =	sor.u32 $0xF00, s9;
	s10 =	sadd.s32 s22, s7;
	[dreg:$0x4] =	wrdreg s13  }
0x13: {  	s8 =	simm.s32 $0xA0;
	s28 =	sadd.s32 s25, s6;
	[dreg:$0x5] =	wrdreg s10  }
0x14: {  	s24 =	simm.s32 $0x8;
	s29 =	sadd.s32 s25, s7;
	[dreg:$0x8] =	wrdreg s28  }
0x15: {  	s9 =	sor.u32 $0xA00, s9;
	s31 =	sadd.s32 $0x1200, s5;
	[dreg:$0x9] =	wrdreg s29  }
0x16: {  	s6 =	sadd.s32 s9, s6;
	s7 =	sadd.s32 s9, s7;
	[dreg:$0xc] =	wrdreg s31  }
0x17: {  	s9 =	simm.s32 $0x6400;
	s22 =	simm.s32 $0x6;
	[dreg:$0xa] =	wrdreg s6  }
0x18: {  	s25 =	simm.s32 $0x0;
	s6 =	smax.u32 s30, $0x1;
	[dreg:$0xb] =	wrdreg s7  }
0x19: {  	s7 =	simm.s32 $0x9;
	s10 =	simm.s32 $0x10400;
	s13 =	simm.s32 $0xB400  }
.LBB2_1:
0x1a: {  	s0 =	rddreg [dreg:$0xc]  }
0x1b: {  	[tilespmem:s2], [sflag:$0x9] =	stream.linear.gather [hbm4b:s0+s2], $0x6400, $0x38;
	[tilespmem:$0x1A400] =	vst v63  }
0x1c: {  	_ =	swait.ge [sflag:s7], $0x6400  }
0x1d: {  	[sflag:s7] =	ssyncset.done $0x0  }
0x1e: {  	[sflag:s7] =	ssyncadd.s32 $0xFFFF9C00  }
0x1f: {  	[tilespmem:s9], [sflag:$0x1] =	stream.indirect.gather [hbm4b:s3+s8], $0x40, s2, s8, $0xb8;
	[tilespmem:$0x1A400] =	vst v63  }
0x20: {  	p0 =	por $0x1, $0x1  }
0x21: {  	[tilespmem:s10], [sflag:$0x1] =	stream.indirect.gather [hbm4b:s4+s8], $0x40, s2, s8, $0xb8;
	[tilespmem:$0x1A400] =	vst v63  }
0x22: {  	p0 =	por p0, p0  }
0x23: {  	[tilespmem:s11], [sflag:$0x2] =	stream.indirect.gather [hbm4b:s3+s8], $0x40, s8, s8, $0xb8;
	[tilespmem:$0x1A400] =	vst v63  }
0x24: {  	s26 =	simm.s32 @!p0 $0x7  }
0x25: {  	[tilespmem:s12], [sflag:$0x2] =	stream.indirect.gather [hbm4b:s4+s8], $0x40, s8, s8, $0xb8;
	[tilespmem:$0x1A400] =	vst v63  }
0x26: {  	_ =	swait.ge @!p0 [sflag:s26], $0x2800  }
0x27: {  	[sflag:s26] =	ssyncset.done @!p0 $0x0  }
0x28: {  	[sflag:s26] =	ssyncadd.s32 @!p0 $0xFFFFD800  }
0x29: {  	_ =	swait.ge @!p0 [sflag:s26], $0x2800  }
0x2a: {  	[sflag:s26] =	ssyncset.done @!p0 $0x0  }
0x2b: {  	s0 =	simm.s32 $0x140;
	[sflag:s26] =	ssyncadd.s32 @!p0 $0xFFFFD800  }
0x2c: {  	[tilespmem:s13], [sflag:$0x3] =	stream.indirect.gather [hbm4b:s3+s8], $0x40, s0, s8, $0xb8;
	[tilespmem:$0x1A400] =	vst v63  }
0x2d: {  	_ = 	snop  }
0x2e: {  	[tilespmem:s14], [sflag:$0x3] =	stream.indirect.gather [hbm4b:s4+s8], $0x40, s0, s8, $0xb8;
	[tilespmem:$0x1A400] =	vst v63  }
0x2f: {  	_ =	swait.ge [sflag:s15], $0x2800  }
0x30: {  	[sflag:s15] =	ssyncset.done $0x0  }
0x31: {  	[sflag:s15] =	ssyncadd.s32 $0xFFFFD800  }
0x32: {  	_ =	swait.ge [sflag:s15], $0x2800  }
0x33: {  	s1 =	rddreg [dreg:$0x7];
	[sflag:s15] =	ssyncset.done $0x0  }
0x34: {  	s28 =	rddreg [dreg:$0x6];
	[sflag:s15] =	ssyncadd.s32 $0xFFFFD800;
	s26 =	sadd.s32 $0x0, s1  }
0x35: {  	[hbm4b:s26+s2] =	stream.linear.scatter [tilespmem:s9], [sflag:$0x5], $0x2800, $0x38;
	[tilespmem:$0x1A400] =	vst v63  }
0x36: {  	s5 =	sadd.s32 $0x0, s28;
	s28 =	simm.s32 @!p0 $0x8  }
0x37: {  	[hbm4b:s5+s2] =	stream.linear.scatter [tilespmem:s10], [sflag:$0x5], $0x2800, $0x38;
	[tilespmem:$0x1A400] =	vst v63  }
0x38: {  	_ =	swait.ge @!p0 [sflag:s28], $0x2800  }
0x39: {  	[sflag:s28] =	ssyncset.done @!p0 $0x0  }
0x3a: {  	[sflag:s28] =	ssyncadd.s32 @!p0 $0xFFFFD800  }
0x3b: {  	_ =	swait.ge @!p0 [sflag:s28], $0x2800  }
0x3c: {  	[sflag:s28] =	ssyncset.done @!p0 $0x0  }
0x3d: {  	s0 =	simm.s32 $0x1E0;
	[sflag:s28] =	ssyncadd.s32 @!p0 $0xFFFFD800  }
0x3e: {  	[tilespmem:s16], [sflag:$0x4] =	stream.indirect.gather [hbm4b:s3+s8], $0x40, s0, s8, $0xb8;
	[tilespmem:$0x1A400] =	vst v63  }
0x3f: {  	_ = 	snop  }
0x40: {  	[tilespmem:s17], [sflag:$0x4] =	stream.indirect.gather [hbm4b:s4+s8], $0x40, s0, s8, $0xb8;
	[tilespmem:$0x1A400] =	vst v63  }
0x41: {  	_ =	swait.ge [sflag:s18], $0x2800  }
0x42: {  	[sflag:s18] =	ssyncset.done $0x0  }
0x43: {  	[sflag:s18] =	ssyncadd.s32 $0xFFFFD800  }
0x44: {  	_ =	swait.ge [sflag:s18], $0x2800  }
0x45: {  	p0 =	por $0x0, $0x0;
	s1 =	rddreg [dreg:$0x4];
	[sflag:s18] =	ssyncset.done $0x0  }
0x46: {  	s28 =	rddreg [dreg:$0x5];
	[sflag:s18] =	ssyncadd.s32 $0xFFFFD800;
	s26 =	sadd.s32 $0x0, s1  }
0x47: {  	[hbm4b:s26+s2] =	stream.linear.scatter [tilespmem:s11], [sflag:$0x6], $0x2800, $0x38;
	[tilespmem:$0x1A400] =	vst v63  }
0x48: {  	s5 =	sadd.s32 $0x0, s28;
	s26 =	simm.s32 @!p0 $0x5  }
0x49: {  	[hbm4b:s5+s2] =	stream.linear.scatter [tilespmem:s12], [sflag:$0x6], $0x2800, $0x38;
	[tilespmem:$0x1A400] =	vst v63  }
0x4a: {  	_ =	swait.ge @!p0 [sflag:s26], $0x2800  }
0x4b: {  	[sflag:s26] =	ssyncset.done @!p0 $0x0  }
0x4c: {  	[sflag:s26] =	ssyncadd.s32 @!p0 $0xFFFFD800  }
0x4d: {  	_ =	swait.ge @!p0 [sflag:s26], $0x2800  }
0x4e: {  	s29 =	simm.s32 @!p0 $0x280;
	[sflag:s26] =	ssyncset.done @!p0 $0x0  }
0x4f: {  	s30 =	simm.s32 @!p0 $0xA0;
	s28 =	simm.s32 @!p0 $0x6400;
	[sflag:s26] =	ssyncadd.s32 @!p0 $0xFFFFD800  }
0x50: {  	[tilespmem:s28], [sflag:$0x1] =	stream.indirect.gather @!p0 [hbm4b:s3+s30], $0x40, s29, s30, $0xb8;
	[tilespmem:$0x1A400] =	vst v63  }
0x51: {  	s26 =	simm.s32 @!p0 $0x10400  }
0x52: {  	[tilespmem:s26], [sflag:$0x1] =	stream.indirect.gather @!p0 [hbm4b:s4+s30], $0x40, s29, s30, $0xb8;
	[tilespmem:$0x1A400] =	vst v63  }
0x53: {  	_ =	swait.ge [sflag:s19], $0x2800  }
0x54: {  	[sflag:s19] =	ssyncset.done $0x0  }
0x55: {  	[sflag:s19] =	ssyncadd.s32 $0xFFFFD800  }
0x56: {  	_ =	swait.ge [sflag:s19], $0x2800  }
0x57: {  	s0 =	rddreg [dreg:$0xa];
	[sflag:s19] =	ssyncset.done $0x0  }
0x58: {  	s28 =	rddreg [dreg:$0xb];
	[sflag:s19] =	ssyncadd.s32 $0xFFFFD800;
	s26 =	sadd.s32 $0x0, s0  }
0x59: {  	[hbm4b:s26+s2] =	stream.linear.scatter [tilespmem:s13], [sflag:$0x7], $0x2800, $0x38;
	[tilespmem:$0x1A400] =	vst v63  }
0x5a: {  	s1 =	sadd.s32 $0x0, s28;
	s28 =	simm.s32 @!p0 $0x6  }
0x5b: {  	[hbm4b:s1+s2] =	stream.linear.scatter [tilespmem:s14], [sflag:$0x7], $0x2800, $0x38;
	[tilespmem:$0x1A400] =	vst v63  }
0x5c: {  	_ =	swait.ge @!p0 [sflag:s28], $0x2800  }
0x5d: {  	[sflag:s28] =	ssyncset.done @!p0 $0x0  }
0x5e: {  	[sflag:s28] =	ssyncadd.s32 @!p0 $0xFFFFD800  }
0x5f: {  	_ =	swait.ge @!p0 [sflag:s28], $0x2800  }
0x60: {  	[sflag:s28] =	ssyncset.done @!p0 $0x0  }
0x61: {  	s29 =	simm.s32 @!p0 $0x8C00;
	s26 =	simm.s32 $0x320;
	[sflag:s28] =	ssyncadd.s32 @!p0 $0xFFFFD800  }
0x62: {  	[tilespmem:s29], [sflag:$0x2] =	stream.indirect.gather @!p0 [hbm4b:s3+s30], $0x40, s26, s30, $0xb8;
	[tilespmem:$0x1A400] =	vst v63  }
0x63: {  	s28 =	simm.s32 @!p0 $0x12C00  }
0x64: {  	[tilespmem:s28], [sflag:$0x2] =	stream.indirect.gather @!p0 [hbm4b:s4+s30], $0x40, s26, s30, $0xb8;
	[tilespmem:$0x1A400] =	vst v63  }
0x65: {  	_ =	swait.ge [sflag:s20], $0x2800  }
0x66: {  	[sflag:s20] =	ssyncset.done $0x0  }
0x67: {  	[sflag:s20] =	ssyncadd.s32 $0xFFFFD800  }
0x68: {  	p6 =	por $0x0, $0x0;
	s29 =	simm.s32 $0x2800;
	_ =	swait.ge [sflag:s20], $0x2800  }
0x69: {  	p0 =	por p6, p6;
	s5 =	rddreg [dreg:$0x8];
	[sflag:s20] =	ssyncset.done $0x0  }
0x6a: {  	s28 =	simm.s32 $0x5A0;
	[sflag:s20] =	ssyncadd.s32 $0xFFFFD800;
	s26 =	sadd.s32 $0x0, s5  }
0x6b: {  	[hbm4b:s26+s2] =	stream.linear.scatter [tilespmem:s16], [sflag:$0x8], $0x2800, $0x38;
	[tilespmem:$0x1A400] =	vst v63  }
0x6c: {  	s30 =	simm.s32 $0x0;
	s31 =	rddreg [dreg:$0x9];
	s26 =	simm.s32 $0x1400  }
.LBB2_2:
0x6d: {  	s0 =	simm.s32 @!p0 $0x7;
	s31 =	sadd.s32 s30, s31  }
0x6e: {  	[hbm4b:s31+s2] =	stream.linear.scatter [tilespmem:s17], [sflag:$0x8], $0x2800, $0x38;
	[tilespmem:$0x1A400] =	vst v63  }
0x6f: {  	_ =	swait.ge @!p0 [sflag:s0], $0x2800  }
0x70: {  	[sflag:s0] =	ssyncset.done @!p0 $0x0  }
0x71: {  	[sflag:s0] =	ssyncadd.s32 @!p0 $0xFFFFD800  }
0x72: {  	_ =	swait.ge @!p0 [sflag:s0], $0x2800  }
0x73: {  	[sflag:s0] =	ssyncset.done @!p0 $0x0  }
0x74: {  	s5 =	sadd.s32 $0xFFFFFE20, s28;
	[sflag:s0] =	ssyncadd.s32 @!p0 $0xFFFFD800  }
0x75: {  	[tilespmem:s13], [sflag:$0x3] =	stream.indirect.gather [hbm4b:s3+s8], $0x40, s5, s8, $0xb8;
	[tilespmem:$0x1A400] =	vst v63  }
0x76: {  	_ = 	snop  }
0x77: {  	[tilespmem:s14], [sflag:$0x3] =	stream.indirect.gather [hbm4b:s4+s8], $0x40, s5, s8, $0xb8;
	[tilespmem:$0x1A400] =	vst v63  }
0x78: {  	_ =	swait.ge [sflag:s15], $0x2800  }
0x79: {  	[sflag:s15] =	ssyncset.done $0x0  }
0x7a: {  	[sflag:s15] =	ssyncadd.s32 $0xFFFFD800  }
0x7b: {  	_ =	swait.ge [sflag:s15], $0x2800  }
0x7c: {  	s30 =	smov.u32 s26;
	s1 =	rddreg [dreg:$0x7];
	[sflag:s15] =	ssyncset.done $0x0  }
0x7d: {  	s31 =	rddreg [dreg:$0x6];
	[sflag:s15] =	ssyncadd.s32 $0xFFFFD800;
	s0 =	sadd.s32 s30, s1  }
0x7e: {  	[hbm4b:s0+s2] =	stream.linear.scatter [tilespmem:s9], [sflag:$0x5], $0x2800, $0x38;
	[tilespmem:$0x1A400] =	vst v63  }
0x7f: {  	s5 =	sadd.s32 s30, s31;
	s31 =	simm.s32 @!p0 $0x8  }
0x80: {  	[hbm4b:s5+s2] =	stream.linear.scatter [tilespmem:s10], [sflag:$0x5], $0x2800, $0x38;
	[tilespmem:$0x1A400] =	vst v63  }
0x81: {  	_ =	swait.ge @!p0 [sflag:s31], $0x2800  }
0x82: {  	[sflag:s31] =	ssyncset.done @!p0 $0x0  }
0x83: {  	[sflag:s31] =	ssyncadd.s32 @!p0 $0xFFFFD800  }
0x84: {  	_ =	swait.ge @!p0 [sflag:s31], $0x2800  }
0x85: {  	[sflag:s31] =	ssyncset.done @!p0 $0x0  }
0x86: {  	s1 =	sadd.s32 $0xFFFFFEC0, s28;
	[sflag:s31] =	ssyncadd.s32 @!p0 $0xFFFFD800  }
0x87: {  	[tilespmem:s16], [sflag:$0x4] =	stream.indirect.gather [hbm4b:s3+s8], $0x40, s1, s8, $0xb8;
	[tilespmem:$0x1A400] =	vst v63  }
0x88: {  	_ = 	snop  }
0x89: {  	[tilespmem:s17], [sflag:$0x4] =	stream.indirect.gather [hbm4b:s4+s8], $0x40, s1, s8, $0xb8;
	[tilespmem:$0x1A400] =	vst v63  }
0x8a: {  	_ =	swait.ge [sflag:s18], $0x2800  }
0x8b: {  	[sflag:s18] =	ssyncset.done $0x0  }
0x8c: {  	p2 =	seq.s32 s29, $0x0;
	[sflag:s18] =	ssyncadd.s32 $0xFFFFD800  }
0x8d: {  	p0 =	por p2, p2;
	_ =	swait.ge [sflag:s18], $0x2800  }
0x8e: {  	p2 =	seq.s32 s30, $0x30C00;
	s5 =	rddreg [dreg:$0x4];
	[sflag:s18] =	ssyncset.done $0x0  }
0x8f: {  	s31 =	rddreg [dreg:$0x5];
	[sflag:s18] =	ssyncadd.s32 $0xFFFFD800;
	s0 =	sadd.s32 s30, s5  }
0x90: {  	[hbm4b:s0+s2] =	stream.linear.scatter [tilespmem:s11], [sflag:$0x6], $0x2800, $0x38;
	[tilespmem:$0x1A400] =	vst v63  }
0x91: {  	s1 =	sadd.s32 s30, s31;
	s0 =	simm.s32 @!p2 $0x5  }
0x92: {  	[hbm4b:s1+s2] =	stream.linear.scatter [tilespmem:s12], [sflag:$0x6], $0x2800, $0x38;
	[tilespmem:$0x1A400] =	vst v63  }
0x93: {  	_ =	swait.ge @!p2 [sflag:s0], $0x2800  }
0x94: {  	[sflag:s0] =	ssyncset.done @!p2 $0x0  }
0x95: {  	[sflag:s0] =	ssyncadd.s32 @!p2 $0xFFFFD800  }
0x96: {  	_ =	swait.ge @!p2 [sflag:s0], $0x2800  }
0x97: {  	s31 =	simm.s32 @!p2 $0x6400;
	[sflag:s0] =	ssyncset.done @!p2 $0x0  }
0x98: {  	s5 =	simm.s32 @!p2 $0xA0;
	s1 =	sadd.s32 @!p2 $0xFFFFFF60, s28;
	[sflag:s0] =	ssyncadd.s32 @!p2 $0xFFFFD800  }
0x99: {  	[tilespmem:s31], [sflag:$0x1] =	stream.indirect.gather @!p2 [hbm4b:s3+s5], $0x40, s1, s5, $0xb8;
	[tilespmem:$0x1A400] =	vst v63  }
0x9a: {  	s0 =	simm.s32 @!p2 $0x10400  }
0x9b: {  	[tilespmem:s0], [sflag:$0x1] =	stream.indirect.gather @!p2 [hbm4b:s4+s5], $0x40, s1, s5, $0xb8;
	[tilespmem:$0x1A400] =	vst v63  }
0x9c: {  	_ =	swait.ge [sflag:s19], $0x2800  }
0x9d: {  	[sflag:s19] =	ssyncset.done $0x0  }
0x9e: {  	[sflag:s19] =	ssyncadd.s32 $0xFFFFD800  }
0x9f: {  	_ =	swait.ge [sflag:s19], $0x2800  }
0xa0: {  	s0 =	rddreg [dreg:$0xa];
	[sflag:s19] =	ssyncset.done $0x0  }
0xa1: {  	s1 =	rddreg [dreg:$0xb];
	[sflag:s19] =	ssyncadd.s32 $0xFFFFD800;
	s0 =	sadd.s32 s30, s0  }
0xa2: {  	[hbm4b:s0+s2] =	stream.linear.scatter [tilespmem:s13], [sflag:$0x7], $0x2800, $0x38;
	[tilespmem:$0x1A400] =	vst v63  }
0xa3: {  	s0 =	sadd.s32 s30, s1;
	s1 =	simm.s32 @!p2 $0x6  }
0xa4: {  	[hbm4b:s0+s2] =	stream.linear.scatter [tilespmem:s14], [sflag:$0x7], $0x2800, $0x38;
	[tilespmem:$0x1A400] =	vst v63  }
0xa5: {  	_ =	swait.ge @!p2 [sflag:s1], $0x2800  }
0xa6: {  	[sflag:s1] =	ssyncset.done @!p2 $0x0  }
0xa7: {  	[sflag:s1] =	ssyncadd.s32 @!p2 $0xFFFFD800  }
0xa8: {  	_ =	swait.ge @!p2 [sflag:s1], $0x2800  }
0xa9: {  	[sflag:s1] =	ssyncset.done @!p2 $0x0  }
0xaa: {  	s0 =	simm.s32 @!p2 $0x8C00;
	[sflag:s1] =	ssyncadd.s32 @!p2 $0xFFFFD800  }
0xab: {  	[tilespmem:s0], [sflag:$0x2] =	stream.indirect.gather @!p2 [hbm4b:s3+s5], $0x40, s28, s5, $0xb8;
	[tilespmem:$0x1A400] =	vst v63  }
0xac: {  	s1 =	simm.s32 @!p2 $0x12C00  }
0xad: {  	[tilespmem:s1], [sflag:$0x2] =	stream.indirect.gather @!p2 [hbm4b:s4+s5], $0x40, s28, s5, $0xb8;
	[tilespmem:$0x1A400] =	vst v63  }
0xae: {  	s26 =	smov.u32 s29;
	s29 =	sadd.s32 $0x1400, s29;
	_ =	swait.ge [sflag:s20], $0x2800  }
0xaf: {  	p1 =	sne.s32 s29, $0x32000;
	[sflag:s20] =	ssyncset.done $0x0  }
.Ltmp0:
0xb0: {  	[sflag:s20] =	ssyncadd.s32 $0xFFFFD800;
	(pc) =	sbr.rel @p1 .LBB2_2-.Ltmp0, $4  }
0xb1: {  	_ =	swait.ge [sflag:s20], $0x2800  }
0xb2: {  	s28 =	sadd.s32 $0x280, s28;
	s5 =	rddreg [dreg:$0x8];
	[sflag:s20] =	ssyncset.done $0x0  }
0xb3: {  	s31 =	rddreg [dreg:$0x9];
	[sflag:s20] =	ssyncadd.s32 $0xFFFFD800;
	s0 =	sadd.s32 s30, s5  }
0xb4: {  	[hbm4b:s0+s2] =	stream.linear.scatter [tilespmem:s16], [sflag:$0x8], $0x2800, $0x38;
	[tilespmem:$0x1A400] =	vst v63  }
0xb5: {  	s0 =	simm.s32 @!p0 $0x7;
	s1 =	sadd.s32 s30, s31  }
0xb6: {  	[hbm4b:s1+s2] =	stream.linear.scatter [tilespmem:s17], [sflag:$0x8], $0x2800, $0x38;
	[tilespmem:$0x1A400] =	vst v63  }
0xb7: {  	_ =	swait.ge @!p0 [sflag:s0], $0x2800  }
0xb8: {  	[sflag:s0] =	ssyncset.done @!p0 $0x0  }
0xb9: {  	[sflag:s0] =	ssyncadd.s32 @!p0 $0xFFFFD800  }
0xba: {  	_ =	swait.ge @!p0 [sflag:s0], $0x2800  }
0xbb: {  	[sflag:s0] =	ssyncset.done @!p0 $0x0  }
0xbc: {  	s1 =	sadd.s32 $0xFFFFFE20, s28;
	[sflag:s0] =	ssyncadd.s32 @!p0 $0xFFFFD800  }
0xbd: {  	[tilespmem:s13], [sflag:$0x3] =	stream.indirect.gather [hbm4b:s3+s8], $0x40, s1, s8, $0xb8;
	[tilespmem:$0x1A400] =	vst v63  }
0xbe: {  	_ = 	snop  }
0xbf: {  	[tilespmem:s14], [sflag:$0x3] =	stream.indirect.gather [hbm4b:s4+s8], $0x40, s1, s8, $0xb8;
	[tilespmem:$0x1A400] =	vst v63  }
0xc0: {  	_ =	swait.ge [sflag:s15], $0x2800  }
0xc1: {  	[sflag:s15] =	ssyncset.done $0x0  }
0xc2: {  	[sflag:s15] =	ssyncadd.s32 $0xFFFFD800  }
0xc3: {  	_ =	swait.ge [sflag:s15], $0x2800  }
0xc4: {  	s5 =	rddreg [dreg:$0x7];
	[sflag:s15] =	ssyncset.done $0x0  }
0xc5: {  	s29 =	rddreg [dreg:$0x6];
	[sflag:s15] =	ssyncadd.s32 $0xFFFFD800;
	s0 =	sadd.s32 s26, s5  }
0xc6: {  	[hbm4b:s0+s2] =	stream.linear.scatter [tilespmem:s9], [sflag:$0x5], $0x2800, $0x38;
	[tilespmem:$0x1A400] =	vst v63  }
0xc7: {  	s1 =	simm.s32 @!p0 $0x8;
	s30 =	sadd.s32 s26, s29  }
0xc8: {  	[hbm4b:s30+s2] =	stream.linear.scatter [tilespmem:s10], [sflag:$0x5], $0x2800, $0x38;
	[tilespmem:$0x1A400] =	vst v63  }
0xc9: {  	_ =	swait.ge @!p0 [sflag:s1], $0x2800  }
0xca: {  	[sflag:s1] =	ssyncset.done @!p0 $0x0  }
0xcb: {  	[sflag:s1] =	ssyncadd.s32 @!p0 $0xFFFFD800  }
0xcc: {  	_ =	swait.ge @!p0 [sflag:s1], $0x2800  }
0xcd: {  	[sflag:s1] =	ssyncset.done @!p0 $0x0  }
0xce: {  	s31 =	sadd.s32 $0xFFFFFEC0, s28;
	[sflag:s1] =	ssyncadd.s32 @!p0 $0xFFFFD800  }
0xcf: {  	[tilespmem:s16], [sflag:$0x4] =	stream.indirect.gather [hbm4b:s3+s8], $0x40, s31, s8, $0xb8;
	[tilespmem:$0x1A400] =	vst v63  }
0xd0: {  	_ = 	snop  }
0xd1: {  	[tilespmem:s17], [sflag:$0x4] =	stream.indirect.gather [hbm4b:s4+s8], $0x40, s31, s8, $0xb8;
	[tilespmem:$0x1A400] =	vst v63  }
0xd2: {  	_ =	swait.ge [sflag:s18], $0x2800  }
0xd3: {  	[sflag:s18] =	ssyncset.done $0x0  }
0xd4: {  	[sflag:s18] =	ssyncadd.s32 $0xFFFFD800  }
0xd5: {  	_ =	swait.ge [sflag:s18], $0x2800  }
0xd6: {  	p0 =	seq.s32 s26, $0x30C00;
	s1 =	rddreg [dreg:$0x4];
	[sflag:s18] =	ssyncset.done $0x0  }
0xd7: {  	s5 =	rddreg [dreg:$0x5];
	[sflag:s18] =	ssyncadd.s32 $0xFFFFD800;
	s0 =	sadd.s32 s26, s1  }
0xd8: {  	[hbm4b:s0+s2] =	stream.linear.scatter [tilespmem:s11], [sflag:$0x6], $0x2800, $0x38;
	[tilespmem:$0x1A400] =	vst v63  }
0xd9: {  	s29 =	sadd.s32 s26, s5;
	s0 =	simm.s32 @!p0 $0x5  }
0xda: {  	[hbm4b:s29+s2] =	stream.linear.scatter [tilespmem:s12], [sflag:$0x6], $0x2800, $0x38;
	[tilespmem:$0x1A400] =	vst v63  }
0xdb: {  	_ =	swait.ge @!p0 [sflag:s0], $0x2800  }
0xdc: {  	[sflag:s0] =	ssyncset.done @!p0 $0x0  }
0xdd: {  	[sflag:s0] =	ssyncadd.s32 @!p0 $0xFFFFD800  }
0xde: {  	_ =	swait.ge @!p0 [sflag:s0], $0x2800  }
0xdf: {  	s1 =	simm.s32 @!p0 $0x6400;
	[sflag:s0] =	ssyncset.done @!p0 $0x0  }
0xe0: {  	s5 =	sadd.s32 @!p0 $0xFFFFFF60, s28;
	[sflag:s0] =	ssyncadd.s32 @!p0 $0xFFFFD800;
	s0 =	simm.s32 @!p0 $0xA0  }
0xe1: {  	[tilespmem:s1], [sflag:$0x1] =	stream.indirect.gather @!p0 [hbm4b:s3+s0], $0x40, s5, s0, $0xb8;
	[tilespmem:$0x1A400] =	vst v63  }
0xe2: {  	s1 =	simm.s32 @!p0 $0x10400  }
0xe3: {  	[tilespmem:s1], [sflag:$0x1] =	stream.indirect.gather @!p0 [hbm4b:s4+s0], $0x40, s5, s0, $0xb8;
	[tilespmem:$0x1A400] =	vst v63  }
0xe4: {  	_ =	swait.ge [sflag:s19], $0x2800  }
0xe5: {  	[sflag:s19] =	ssyncset.done $0x0  }
0xe6: {  	[sflag:s19] =	ssyncadd.s32 $0xFFFFD800  }
0xe7: {  	_ =	swait.ge [sflag:s19], $0x2800  }
0xe8: {  	s30 =	rddreg [dreg:$0xa];
	[sflag:s19] =	ssyncset.done $0x0  }
0xe9: {  	s31 =	rddreg [dreg:$0xb];
	[sflag:s19] =	ssyncadd.s32 $0xFFFFD800;
	s1 =	sadd.s32 s26, s30  }
0xea: {  	[hbm4b:s1+s2] =	stream.linear.scatter [tilespmem:s13], [sflag:$0x7], $0x2800, $0x38;
	[tilespmem:$0x1A400] =	vst v63  }
0xeb: {  	s5 =	sadd.s32 s26, s31;
	s1 =	simm.s32 @!p0 $0x6  }
0xec: {  	[hbm4b:s5+s2] =	stream.linear.scatter [tilespmem:s14], [sflag:$0x7], $0x2800, $0x38;
	[tilespmem:$0x1A400] =	vst v63  }
0xed: {  	_ =	swait.ge @!p0 [sflag:s1], $0x2800  }
0xee: {  	[sflag:s1] =	ssyncset.done @!p0 $0x0  }
0xef: {  	[sflag:s1] =	ssyncadd.s32 @!p0 $0xFFFFD800  }
0xf0: {  	_ =	swait.ge @!p0 [sflag:s1], $0x2800  }
0xf1: {  	[sflag:s1] =	ssyncset.done @!p0 $0x0  }
0xf2: {  	[sflag:s1] =	ssyncadd.s32 @!p0 $0xFFFFD800;
	s1 =	simm.s32 @!p0 $0x8C00  }
0xf3: {  	[tilespmem:s1], [sflag:$0x2] =	stream.indirect.gather @!p0 [hbm4b:s3+s0], $0x40, s28, s0, $0xb8;
	[tilespmem:$0x1A400] =	vst v63  }
0xf4: {  	s1 =	simm.s32 @!p0 $0x12C00  }
0xf5: {  	[tilespmem:s1], [sflag:$0x2] =	stream.indirect.gather @!p0 [hbm4b:s4+s0], $0x40, s28, s0, $0xb8;
	[tilespmem:$0x1A400] =	vst v63  }
0xf6: {  	_ =	swait.ge [sflag:s20], $0x2800  }
0xf7: {  	[sflag:s20] =	ssyncset.done $0x0  }
0xf8: {  	[sflag:s20] =	ssyncadd.s32 $0xFFFFD800  }
0xf9: {  	_ =	swait.ge [sflag:s20], $0x2800  }
0xfa: {  	s29 =	rddreg [dreg:$0x8];
	[sflag:s20] =	ssyncset.done $0x0  }
0xfb: {  	s30 =	rddreg [dreg:$0x9];
	[sflag:s20] =	ssyncadd.s32 $0xFFFFD800;
	s0 =	sadd.s32 s26, s29  }
0xfc: {  	[hbm4b:s0+s2] =	stream.linear.scatter [tilespmem:s16], [sflag:$0x8], $0x2800, $0x38;
	[tilespmem:$0x1A400] =	vst v63  }
0xfd: {  	s31 =	sadd.s32 s26, s30  }
0xfe: {  	[hbm4b:s31+s2] =	stream.linear.scatter [tilespmem:s17], [sflag:$0x8], $0x2800, $0x38;
	[tilespmem:$0x1A400] =	vst v63  }
0xff: {  	_ =	swait.ge [sflag:s21], $0x2800  }
0x100: {  	[sflag:s21] =	ssyncset.done $0x0  }
0x101: {  	[sflag:s21] =	ssyncadd.s32 $0xFFFFD800  }
0x102: {  	_ =	swait.ge [sflag:s21], $0x2800  }
0x103: {  	[sflag:s21] =	ssyncset.done $0x0  }
0x104: {  	[sflag:s21] =	ssyncadd.s32 $0xFFFFD800  }
0x105: {  	_ =	swait.ge [sflag:s22], $0x2800  }
0x106: {  	[sflag:s22] =	ssyncset.done $0x0  }
0x107: {  	[sflag:s22] =	ssyncadd.s32 $0xFFFFD800  }
0x108: {  	_ =	swait.ge [sflag:s22], $0x2800  }
0x109: {  	[sflag:s22] =	ssyncset.done $0x0  }
0x10a: {  	[sflag:s22] =	ssyncadd.s32 $0xFFFFD800  }
0x10b: {  	_ =	swait.ge [sflag:s23], $0x2800  }
0x10c: {  	[sflag:s23] =	ssyncset.done $0x0  }
0x10d: {  	[sflag:s23] =	ssyncadd.s32 $0xFFFFD800  }
0x10e: {  	_ =	swait.ge [sflag:s23], $0x2800  }
0x10f: {  	[sflag:s23] =	ssyncset.done $0x0  }
0x110: {  	s25 =	sadd.s32 $0x1, s25;
	[sflag:s23] =	ssyncadd.s32 $0xFFFFD800  }
0x111: {  	p0 =	sne.s32 s25, s6;
	_ =	swait.ge [sflag:s24], $0x2800  }
.Ltmp1:
0x112: {  	[sflag:s24] =	ssyncset.done $0x0;
	(pc) =	sbr.rel @p0 .LBB2_1-.Ltmp1, $4  }
0x113: {  	[sflag:s24] =	ssyncadd.s32 $0xFFFFD800  }
0x114: {  	_ =	swait.ge [sflag:s24], $0x2800  }
0x115: {  	[sflag:s24] =	ssyncset.done $0x0  }
0x116: {  	[sflag:s24] =	ssyncadd.s32 $0xFFFFD800  }
0x117: {  	_ =	sfence.sel $0x180000  }
0x118: {  	[bflag:$0x0] =	sbarrier.arrive $0xFFFF  }
0x119: {  	_ =	strace $0x90000047  }
0x11a: {  	s0 =	stileid.u32;
	[bflag:$0x2] =	sbarrier.arrive $0xFFFF  }
0x11b: {  	p0 =	sne.s32 s0, $0x0;
	s0 =	rddreg [dreg:$0x3]  }
0x11c: {  	s0 =	sadd.s32 @!p0 $0x100000, s0  }
0x11d: {  	[sflag:s0] =	ssyncadd.tile.s32 @!p0 $0x1;
	_ =	shalt  }
.Lfunc_end2:
_tile_overlayer_lowered:
.L_overlay_start_2:
0x11e: {  	(tag) =	ssettag $0x2  }
0x11f: {  	s0 =	rddreg [dreg:$0x0];
	s2 =	stileid.u32  }
0x120: {  	s1 =	rddreg [dreg:$0x1];
	p0 =	sne.s32 s2, $0x0  }
0x121: {  	s3 =	rddreg [dreg:$0x2];
	[bflag:$0x3] =	sbarrier.arrive $0xFFFF;
	s2 =	simm.s32 @!p0 $0x1C09  }
0x122: {  	[timem:s3], [sflag:s2] =	dma.local @!p0 [hbm:s0], s1  }
0x123: {  	s0 =	simm.s32 @!p0 $0x9  }
0x124: {  	_ =	swait.ge @!p0 [sflag:s0], s1  }
0x125: {  	s1 =	ssub.s32 @!p0 $0x0, s1;
	[sflag:s0] =	ssyncset.done @!p0 $0x0  }
0x126: {  	[sflag:s0] =	ssyncadd.s32 @!p0 s1  }
0x127: {  	[bflag:$0x3] =	sbarrier.arrive $0xFFFF  }
0x128: {  	_ =	shalt  }

// kernel: sparse-core-data-format-call.1.cloned.1.call-start
scs
called_computation.1_lowered:
.L_overlay_start_0:
0x0: {  	s2 =	sld [smem:$0x3FD9]  }
0x1: {  	s3 =	sld [smem:$0x3FFE];
	_ =	sdelay $0x1  }
0x2: {  	s1 =	srdreg.scid  }
0x3: {  	s0 =	sand.u32 $0x1, s1  }
0x4: {  	s15 =	sshll.u32 s0, $0xA;
	s2 =	sadd.s32 s3, s2  }
0x5: {  	s2 =	sadd.s32 s2, s15  }
0x6: {  	[smem:$0x3FC5] =	sst s2  }
0x7: {  	_ = 	snop  }
0x8: {  	s2 =	sld [smem:$0x3FD0];
	_ =	sdelay $0x2  }
0x9: {  	s16 =	simm.s32 $0xB;
	s4 =	simm.s32 $0x10  }
0xa: {  	[smem:s4], [sflag:s16] =	dma.local [hbm:s2], $0x1  }
0xb: {  	_ =	swait.eq [sflag:s16], $0x1  }
0xc: {  	[sflag:s16] =	ssyncset.done $0x0  }
0xd: {  	[sflag:s16] =	ssyncadd.s32 $0xFFFFFFFF  }
0xe: {  	s17 =	sld [smem:$0x10];
	(tm) =	ssettm $0x1  }
0xf: {  	s18 =	sld [smem:$0x3FFB];
	_ =	sdelay $0x3  }
0x10: {  	_ =	strace s18  }
0x11: {  	s3 =	sld [smem:$0x3FFC];
	_ =	sdelay $0x3  }
0x12: {  	_ =	strace s3  }
0x13: {  	s3 =	sld [smem:$0x3FFD];
	_ =	sdelay $0x3  }
0x14: {  	_ =	strace s3  }
0x15: {  	_ =	strace $0x8FFFFFFF  }
0x16: {  	s19 =	sld [smem:$0x3FDB];
	_ =	sdelay $0x1  }
0x17: {  	s20 =	simm.s32 $_scs_section_size  }
0x18: {  	s5 =	simm.s32 $_size__tile_overlayer_lowered;
	s6 =	simm.s32 $_tile_overlayer_lowered  }
0x19: {  	s23 =	simm.s32 $0x1BFF;
	s22 =	sshll.u32 s6, $0x1;
	s3 =	sadd.s32 s20, s19  }
0x1a: {  	s7 =	simm.s32 $0x0;
	s21 =	sshll.u32 s5, $0x1;
	s5 =	sadd.s32 s22, s3  }
0x1b: {  	[timem:s7], [sflag:s23] =	dma.local [hbm:s5], s21  }
0x1c: {  	_ =	swait.ge [sflag:s23], s21  }
0x1d: {  	s4 =	ssub.s32 $0x0, s21;
	[sflag:s23] =	ssyncset.done $0x0  }
0x1e: {  	[sflag:s23] =	ssyncadd.s32 s4;
	_ =	sdelay $0x1  }
0x1f: {  	s24 =	simm.s32 $0x1B8B  }
0x20: {  	_ =	swait.ge [sflag:s24], $0x1  }
0x21: {  	[sflag:s24] =	ssyncset.done $0x0  }
0x22: {  	s26 =	simm.s32 $0x1B8E;
	s25 =	sld [smem:$0x3FFE];
	[sflag:s24] =	ssyncadd.s32 $0xFFFFFFFF  }
0x23: {  	s27 =	simm.s32 $execute0_lowered;
	[smem:$0x3FD2] =	sst s26  }
0x24: {  	s5 =	sshll.u32 s27, $0x1;
	_ =	strace $0x80000049;
	[dreg:$0x1] =	wrdreg $0xFFFFFFFF  }
0x25: {  	s28 =	simm.s32 $_size_execute0_lowered;
	s3 =	sadd.s32 s3, s5;
	[dreg:$0x0] =	wrdreg $0x0  }
0x26: {  	s5 =	sshll.u32 s28, $0x1;
	[dreg:$0x2] =	wrdreg s3  }
0x27: {  	[dreg:$0x3] =	wrdreg s5  }
0x28: {  	[dreg:$0x4] =	wrdreg $0xC0  }
0x29: {  	_ =	task [dreg:s7], $0x5FFFF  }
0x2a: {  	[dreg:$0x1] =	wrdreg $0xFFFFFFFF  }
0x2b: {  	[dreg:$0x0] =	wrdreg $0x60  }
0x2c: {  	[dreg:$0x2] =	wrdreg s25  }
0x2d: {  	[dreg:$0x3] =	wrdreg s17  }
0x2e: {  	[dreg:$0x4] =	wrdreg $0xA  }
0x2f: {  	_ =	task.clear_ibuf [dreg:s7], $0x5FFFF;
	_ =	strace $0x90000049  }
0x30: {  	s29 =	simm.s32 $0xA;
	_ =	strace $0x8000004B  }
0x31: {  	_ =	swait.ge [sflag:s29], $0x1  }
0x32: {  	[sflag:s29] =	ssyncadd.s32 $0xFFFFFFFF  }
0x33: {  	_ =	strace $0x9000004B  }
0x34: {  	_ =	sfence  }
0x35: {  	s30 =	sld [smem:$0x0];
	_ =	sdelay $0x2  }
0x36: {  	s31 =	sshll.u32 s1, $0xD;
	s1 =	sshrl.u32 s1, $0x2  }
0x37: {  	s3 =	sand.u32 $0x4000, s31;
	s1 =	sadd.s32 s1, s30  }
0x38: {  	s0 =	sor.u32 s3, s0;
	s1 =	sshll.u32 s1, $0x11  }
0x39: {  	s0 =	sor.u32 s1, s0  }
0x3a: {  	s0 =	sadd.s32 $0x8F2B, s0  }
0x3b: {  	[sflag:s0] =	ssyncadd.remote.s32 $0x1  }
0x3c: {  	_ =	sfence.sel $0xFFFF  }
0x3d: {  	[dreg:$0x0] =	wrdreg $0xFFFFFFFF;
	(pc) =	sbr.abs _section_cstart, $3  }
0x3e: {  	[dreg:$0x1] =	wrdreg $0xFFFFFFFF  }
0x3f: {  	_ =	task.clear_ibuf [dreg:s7], $0x2FFFF;
	_ =	strace $0x9FFFFFFF  }
0x40: {  	(tm) =	ssettm $0x7FFFFFFF  }
0x41: {  	_ =	shalt  }
tec
execute0_lowered:
.L_overlay_start_1:
0x0: {  	(tag) =	ssettag $0x1  }
0x1: {  	s0 =	srdreg.scid  }
0x2: {  	s1 =	sshll.u32 s0, $0x4  }
0x3: {  	s0 =	stileid.u32;
	s1 =	sand.u32 $0x10, s1  }
0x4: {  	s1 =	sor.u32 s0, s1  }
0x5: {  	s6 =	rddreg [dreg:$0x0];
	s4 =	simm.s32 $0x1;
	s2 =	sshll.u32 s1, $0x7  }
0x6: {  	s7 =	simm.s32 $0x2;
	s12 =	simm.s32 $0x0;
	s1 =	ssub.s32 $0x4000, s2  }
0x7: {  	s8 =	simm.s32 $0x20000;
	s13 =	simm.s32 $0x0;
	s3 =	sand.u32 $0xF80, s1  }
0x8: {  	s9 =	simm.s32 $0x0;
	s5 =	sshrl.u32 s1, $0xC;
	p0 =	sne.s32 s3, $0x0  }
.Ltmp0:
0x9: {  	s1 =	rddreg [dreg:$0x2];
	s4 =	simm.s32 @!p0 $0x0;
	(pc) =	sbr.rel .LBB1_1-.Ltmp0, $4  }
0xa: {  	s11 =	simm.s32 $0x0;
	s3 =	rddreg [dreg:$0x1];
	s5 =	sadd.s32 s4, s5  }
0xb: {  	_ =	strace $0x8000004A;
	s4 =	simm.s32 $0x1;
	s5 =	smul.u32 $0x32, s5  }
0xc: {  	s6 =	sadd.s32 $0x1200, s6;
	s10 =	smov.u32 s2;
	[sflag:s4] =	ssyncpa.u1 $0x0  }
0xd: {  	p0 =	por $0x0, $0x0;
	[sflag:s7] =	ssyncpa.u1 $0x0;
	s7 =	sor.u32 $0x1, s5  }
.LBB1_4:
0xe: {  	s16 =	sshll.u32 s13, $0x3;
	s17 =	sand.u32 $0x78, s13  }
0xf: {  	s30 =	sand.u32 $0x1F800, s13;
	s12 =	sshll.u32 s12, $0x11;
	s16 =	sand.u32 $0x3C00, s16  }
0x10: {  	[tilespmem:s15+$0x810 ss:$0x81] =	vst.msk $0xffff, v2;
	s31 =	sand.u32 $0x7, s13;
	s16 =	sor.u32 s17, s16;
	s17 =	sadd.s32 s3, s30  }
0x11: {  	[tilespmem:s15+$0x1020 ss:$0x81] =	vst.msk $0xffff, v0;
	s13 =	sshll.u32 s31, $0x12;
	s12 =	sadd.s32 s12, s17;
	s16 =	sshrl.u32 s16, $0x3  }
0x12: {  	[tilespmem:s15+$0x0 ss:$0x81] =	vst.msk $0xffff, v1;
	s13 =	sor.u32 $0x400, s13;
	s12 =	sadd.s32 s16, s12  }
0x13: {  	[hbm4b:s12+s13] =	stream.strided.scatter [tilespmem:s14], [sflag:$0x2], $0x2000, s8, s13, $0x20;
	[tilespmem:$0x8080] =	vst v63  }
.LBB1_5:
0x14: {  	s14 =	sadd.s32 $0x1, s9  }
0x15: {  	s12 =	sadd.s32 $0x1000, s10;
	s16 =	smov.u32 s10;
	p2 =	sgt.s32 s14, $0x31  }
0x16: {  	s16 =	smov.u32 @p2 s12  }
0x17: {  	s14 =	simm.s32 @p2 $0x0;
	p2 =	sgt.s32 s16, $0x3FFF  }
0x18: {  	s16 =	smov.u32 @p2 s2;
	p2 =	sne.s32 s11, s7  }
.Ltmp1:
0x19: {  	p1 =	slt.u32 s11, $0x2;
	(pc) =	sbr.rel @!p2 .LBB1_6-.Ltmp1, $4  }
0x1a: {  	s15 =	simm.s32 @!p1 $0x2  }
0x1b: {  	s13 =	smov.u32 s10;
	p0 =	por !p0, !p0;
	_ =	swait.ge @!p1 [sflag:s15], $0x2000  }
0x1c: {  	s12 =	smov.u32 s9;
	[sflag:s15] =	ssyncset.done @!p1 $0x0;
	s9 =	smov.u32 s14  }
0x1d: {  	s11 =	sadd.s32 $0x1, s11;
	[sflag:s15] =	ssyncadd.s32 @!p1 $0xFFFFE000;
	s10 =	smov.u32 s16  }
.LBB1_1:
0x1e: {  	p1 =	sge.u32 s11, s5  }
0x1f: {  	s14 =	sand.u32 @!p1 $0x1FFFFFF, s9  }
0x20: {  	s15 =	smulhi.u32 @!p1 $0x4924925, s14;
	_ =	sdelay $0x1  }
0x21: {  	s15 =	smul.u32 @!p1 $0x38, s15  }
0x22: {  	s16 =	sxor.u32 @!p1 $0xFFFFFFFF, s11;
	s17 =	smul.u32 @!p1 $0x380, s10  }
0x23: {  	s31 =	sadd.s32 $0xFFFFFFFF, s11;
	s16 =	sshll.u32 @!p1 s16, $0xD;
	s14 =	ssub.s32 @!p1 s14, s15  }
0x24: {  	s15 =	sand.u32 @!p1 $0x2000, s16;
	s16 =	sadd.s32 @!p1 s6, s17;
	s14 =	sshll.u32 @!p1 s14, $0x4  }
0x25: {  	s17 =	simm.s32 @!p1 $0x1C00;
	s14 =	sadd.s32 @!p1 s14, s16;
	s16 =	simm.s32 @!p1 $0x40  }
0x26: {  	[tilespmem:s15], [sflag:$0x1] =	stream.strided.gather @!p1 [hbm4b:s14+s16], $0x2000, s17, s16, $0x38;
	[tilespmem:$0x8080] =	vst v63  }
0x27: {  	p1 =	sge.u32 s31, s5  }
.Ltmp2:
0x28: {  	_ = 	snop;
	(pc) =	sbr.rel @p1 .LBB1_5-.Ltmp2, $1  }
0x29: {  	_ =	sdelay $0x3  }
0x2a: {  	s14 =	simm.s32 $0x1  }
0x2b: {  	_ =	swait.ge [sflag:s4], $0x2000;
	s14 =	simm.s32 @!p0 $0x0  }
0x2c: {  	[sflag:s4] =	ssyncset.done $0x0;
	s15 =	sshll.u32 s14, $0xD  }
0x2d: {  	[sflag:s4] =	ssyncadd.s32 $0xFFFFE000;
	s18 =	sor.u32 $0x20, s15  }
0x2e: {  	s14 =	smul.u32 $0x8100, s14;
	v3 =	vld [tilespmem:s18+$0x10]  }
0x2f: {  	s30 =	sand.u32 $0x1, s11;
	v2 =	vld [tilespmem:s18+$0xFFFFFFF0]  }
0x30: {  	s15 =	smul.u32 $0x8100, s30;
	s14 =	sshrl.u32 s14, $0x2;
	v0 =	vld [tilespmem:s18+$0x0]  }
0x31: {  	v1 =	vld [tilespmem:s18+$0xFFFFFFE0];
	s16 =	sor.u32 $0x4000, s14  }
0x32: {  	s31 =	sshrl.u32 s15, $0x2;
	s15 =	sadd.s32 $0x0, s16  }
0x33: {  	s17 =	simm.s32 $0x4;
	s18 =	sadd.s32 $0x40, s18;
	s14 =	sor.u32 $0x4000, s31;
	[tilespmem:s15+$0x1830 ss:$0x81] =	vst.msk $0xffff, v3  }
.LBB1_3:
0x34: {  	v3 =	vld [tilespmem:s18+$0x10];
	p1 =	sne.s32 s17, $0x1FC;
	[tilespmem:s15+$0x810 ss:$0x81] =	vst.msk $0xffff, v2;
	s19 =	smov.u32 s17;
	s17 =	sadd.s32 $0x4, s17  }
.Ltmp3:
0x35: {  	v2 =	vld [tilespmem:s18+$0xFFFFFFF0];
	[tilespmem:s15+$0x1020 ss:$0x81] =	vst.msk $0xffff, v0;
	(pc) =	sbr.rel @p1 .LBB1_3-.Ltmp3, $4  }
0x36: {  	v0 =	vld [tilespmem:s18+$0x0];
	[tilespmem:s15+$0x0 ss:$0x81] =	vst.msk $0xffff, v1  }
0x37: {  	s15 =	sshra.s32 s19, $0x2;
	v1 =	vld [tilespmem:s18+$0xFFFFFFE0]  }
0x38: {  	s15 =	sadd.s32 s15, s16  }
0x39: {  	s18 =	sadd.s32 $0x40, s18;
	[tilespmem:s15+$0x1830 ss:$0x81] =	vst.msk $0xffff, v3  }
.Ltmp4:
0x3a: {  	_ = 	snop;
	(pc) =	sbr.rel .LBB1_4-.Ltmp4, $1  }
0x3b: {  	_ =	sdelay $0x3  }
.LBB1_6:
0x3c: {  	_ =	sfence.sel $0x180000  }
0x3d: {  	s2 =	simm.s32 $0x1;
	[bflag:$0x0] =	sbarrier.arrive $0xFFFF  }
0x3e: {  	s31 =	simm.s32 $0x2;
	[sflag:s2] =	ssyncpa.u1 $0x1  }
0x3f: {  	[sflag:s31] =	ssyncpa.u1 $0x1  }
0x40: {  	p0 =	sne.s32 s0, $0x0;
	_ =	strace $0x9000004A  }
0x41: {  	s0 =	sadd.s32 @!p0 $0x100000, s1;
	[bflag:$0x2] =	sbarrier.arrive $0xFFFF  }
0x42: {  	[sflag:s0] =	ssyncadd.tile.s32 @!p0 $0x1;
	_ =	shalt  }
.Lfunc_end1:
_tile_overlayer_lowered:
.L_overlay_start_2:
0x43: {  	(tag) =	ssettag $0x2  }
0x44: {  	s0 =	rddreg [dreg:$0x0];
	s2 =	stileid.u32  }
0x45: {  	s1 =	rddreg [dreg:$0x1];
	p0 =	sne.s32 s2, $0x0  }
0x46: {  	s3 =	rddreg [dreg:$0x2];
	[bflag:$0x3] =	sbarrier.arrive $0xFFFF;
	s2 =	simm.s32 @!p0 $0x1C01  }
0x47: {  	[timem:s3], [sflag:s2] =	dma.local @!p0 [hbm:s0], s1  }
0x48: {  	s0 =	simm.s32 @!p0 $0x1  }
0x49: {  	_ =	swait.ge @!p0 [sflag:s0], s1  }
0x4a: {  	s1 =	ssub.s32 @!p0 $0x0, s1;
	[sflag:s0] =	ssyncset.done @!p0 $0x0  }
0x4b: {  	[sflag:s0] =	ssyncadd.s32 @!p0 s1  }
0x4c: {  	[bflag:$0x3] =	sbarrier.arrive $0xFFFF  }
0x4d: {  	_ =	shalt  }

// kernel: sparse-core-data-format-call.cloned.1.call-start
scs
called_computation_lowered:
.L_overlay_start_0:
0x0: {  	s2 =	sld [smem:$0x3FD9]  }
0x1: {  	s3 =	sld [smem:$0x3FFE];
	_ =	sdelay $0x1  }
0x2: {  	s1 =	srdreg.scid  }
0x3: {  	s0 =	sand.u32 $0x1, s1  }
0x4: {  	s16 =	sshll.u32 s0, $0xA;
	s2 =	sadd.s32 s3, s2  }
0x5: {  	s2 =	sadd.s32 s2, s16  }
0x6: {  	[smem:$0x3FC5] =	sst s2  }
0x7: {  	_ = 	snop  }
0x8: {  	s2 =	sld [smem:$0x3FD0];
	_ =	sdelay $0x2  }
0x9: {  	s17 =	simm.s32 $0xB;
	s4 =	simm.s32 $0x10  }
0xa: {  	[smem:s4], [sflag:s17] =	dma.local [hbm:s2], $0x1  }
0xb: {  	_ =	swait.eq [sflag:s17], $0x1  }
0xc: {  	[sflag:s17] =	ssyncset.done $0x0  }
0xd: {  	[sflag:s17] =	ssyncadd.s32 $0xFFFFFFFF  }
0xe: {  	s18 =	sld [smem:$0x11];
	(tm) =	ssettm $0x1  }
0xf: {  	s19 =	sld [smem:$0x3FFB];
	_ =	sdelay $0x3  }
0x10: {  	_ =	strace s19  }
0x11: {  	s2 =	sld [smem:$0x3FFC];
	_ =	sdelay $0x3  }
0x12: {  	_ =	strace s2  }
0x13: {  	s2 =	sld [smem:$0x3FFD];
	_ =	sdelay $0x3  }
0x14: {  	_ =	strace s2  }
0x15: {  	_ =	strace $0x8FFFFFFF  }
0x16: {  	s20 =	sld [smem:$0x3FDB];
	_ =	sdelay $0x1  }
0x17: {  	s21 =	simm.s32 $_scs_section_size  }
0x18: {  	s5 =	simm.s32 $_size__tile_overlayer_lowered;
	s6 =	simm.s32 $_tile_overlayer_lowered  }
0x19: {  	s7 =	simm.s32 $0x1BFF;
	s22 =	sshll.u32 s6, $0x1;
	s4 =	sadd.s32 s21, s20  }
0x1a: {  	s23 =	simm.s32 $0x0;
	s5 =	sshll.u32 s5, $0x1;
	s6 =	sadd.s32 s22, s4  }
0x1b: {  	[timem:s23], [sflag:s7] =	dma.local [hbm:s6], s5  }
0x1c: {  	_ =	swait.ge [sflag:s7], s5  }
0x1d: {  	s5 =	ssub.s32 $0x0, s5;
	[sflag:s7] =	ssyncset.done $0x0  }
0x1e: {  	[sflag:s7] =	ssyncadd.s32 s5;
	_ =	sdelay $0x1  }
0x1f: {  	s24 =	simm.s32 $0x1B8B  }
0x20: {  	_ =	swait.ge [sflag:s24], $0x1  }
0x21: {  	[sflag:s24] =	ssyncset.done $0x0  }
0x22: {  	[sflag:s24] =	ssyncadd.s32 $0xFFFFFFFF  }
0x23: {  	s5 =	sld [smem:$0x0]  }
0x24: {  	s6 =	sand.u32 $0xFFFFFFFE, s1  }
0x25: {  	p0 =	sne.s32 s1, s6  }
0x26: {  	s6 =	sshll.u32 @p0 s6, $0xE  }
0x27: {  	s6 =	sadd.s32 @p0 $0x11B8D, s6;
	s7 =	sshll.u32 @p0 s5, $0x11  }
0x28: {  	s6 =	sor.u32 @p0 s7, s6  }
0x29: {  	[sflag:s6] =	ssyncadd.remote.s32 @p0 $0x1;
	_ =	sdelay $0x1  }
0x2a: {  	s6 =	simm.s32 @p0 $0x1B8D  }
0x2b: {  	_ =	swait.eq @p0 [sflag:s6], $0x1  }
0x2c: {  	[sflag:s6] =	ssyncadd.s32 @p0 $0xFFFFFFFF  }
0x2d: {  	s7 =	sshll.u32 @!p0 s1, $0xE  }
0x2e: {  	s7 =	sor.u32 @!p0 $0x4000, s7;
	s6 =	simm.s32 @!p0 $0x1B8D  }
0x2f: {  	s5 =	sshll.u32 @!p0 s5, $0x11;
	s7 =	sadd.s32 @!p0 $0x11B8D, s7;
	_ =	swait.eq @!p0 [sflag:s6], $0x1  }
0x30: {  	s5 =	sor.u32 @!p0 s5, s7;
	[sflag:s6] =	ssyncadd.s32 @!p0 $0xFFFFFFFF  }
0x31: {  	s26 =	simm.s32 $0x1B8E;
	s25 =	sld [smem:$0x3FFE];
	[sflag:s5] =	ssyncadd.remote.s32 @!p0 $0x1  }
0x32: {  	s27 =	simm.s32 $execute0_lowered;
	[smem:$0x3FD2] =	sst s26  }
0x33: {  	s6 =	sshll.u32 s27, $0x1;
	_ =	strace $0x8000004C;
	[dreg:$0x1] =	wrdreg $0xFFFFFFFF  }
0x34: {  	s28 =	simm.s32 $_size_execute0_lowered;
	s4 =	sadd.s32 s4, s6;
	[dreg:$0x0] =	wrdreg $0x0  }
0x35: {  	s6 =	sshll.u32 s28, $0x1;
	[dreg:$0x2] =	wrdreg s4  }
0x36: {  	[dreg:$0x3] =	wrdreg s6  }
0x37: {  	[dreg:$0x4] =	wrdreg $0xC0  }
0x38: {  	_ =	task [dreg:s23], $0x5FFFF  }
0x39: {  	[dreg:$0x1] =	wrdreg $0xFFFFFFFF  }
0x3a: {  	[dreg:$0x0] =	wrdreg $0x60  }
0x3b: {  	[dreg:$0x2] =	wrdreg s25  }
0x3c: {  	[dreg:$0x3] =	wrdreg s18  }
0x3d: {  	[dreg:$0x4] =	wrdreg $0x9  }
0x3e: {  	_ =	task.clear_ibuf [dreg:s23], $0x5FFFF;
	_ =	strace $0x9000004C  }
0x3f: {  	s29 =	simm.s32 $0x9;
	_ =	strace $0x8000004E  }
0x40: {  	_ =	swait.ge [sflag:s29], $0x1  }
0x41: {  	[sflag:s29] =	ssyncadd.s32 $0xFFFFFFFF  }
0x42: {  	_ =	strace $0x9000004E  }
0x43: {  	_ =	sfence  }
0x44: {  	s30 =	sld [smem:$0x0];
	_ =	sdelay $0x2  }
0x45: {  	s31 =	sshll.u32 s1, $0xD;
	s1 =	sshrl.u32 s1, $0x2  }
0x46: {  	s4 =	sand.u32 $0x4000, s31;
	s1 =	sadd.s32 s1, s30  }
0x47: {  	s0 =	sor.u32 s4, s0;
	s1 =	sshll.u32 s1, $0x11  }
0x48: {  	s0 =	sor.u32 s1, s0  }
0x49: {  	s0 =	sadd.s32 $0x8F2B, s0  }
0x4a: {  	[sflag:s0] =	ssyncadd.remote.s32 $0x1  }
0x4b: {  	_ =	sfence.sel $0xFFFF  }
0x4c: {  	[dreg:$0x0] =	wrdreg $0xFFFFFFFF;
	(pc) =	sbr.abs _section_cstart, $3  }
0x4d: {  	[dreg:$0x1] =	wrdreg $0xFFFFFFFF  }
0x4e: {  	_ =	task.clear_ibuf [dreg:s23], $0x2FFFF;
	_ =	strace $0x9FFFFFFF  }
0x4f: {  	(tm) =	ssettm $0x7FFFFFFF  }
tec
execute0_lowered:
.L_overlay_start_1:
0x0: {  	(tag) =	ssettag $0x1  }
0x1: {  	s0 =	srdreg.scid  }
0x2: {  	s1 =	sshll.u32 s0, $0x4  }
0x3: {  	s0 =	stileid.u32;
	s1 =	sand.u32 $0x10, s1  }
0x4: {  	s1 =	sor.u32 s0, s1  }
0x5: {  	s6 =	rddreg [dreg:$0x0];
	s4 =	simm.s32 $0x1;
	s2 =	sshll.u32 s1, $0x7  }
0x6: {  	s7 =	simm.s32 $0x2;
	s12 =	simm.s32 $0x0;
	s1 =	ssub.s32 $0x4000, s2  }
0x7: {  	s8 =	simm.s32 $0x20000;
	s13 =	simm.s32 $0x0;
	s3 =	sand.u32 $0xF80, s1  }
0x8: {  	s9 =	simm.s32 $0x0;
	s5 =	sshrl.u32 s1, $0xC;
	p0 =	sne.s32 s3, $0x0  }
.Ltmp0:
0x9: {  	s1 =	rddreg [dreg:$0x2];
	s4 =	simm.s32 @!p0 $0x0;
	(pc) =	sbr.rel .LBB1_1-.Ltmp0, $4  }
0xa: {  	s11 =	simm.s32 $0x0;
	s3 =	rddreg [dreg:$0x1];
	s5 =	sadd.s32 s4, s5  }
0xb: {  	_ =	strace $0x8000004D;
	s4 =	simm.s32 $0x1;
	s5 =	smul.u32 $0x32, s5  }
0xc: {  	s6 =	sadd.s32 $0xE01200, s6;
	s10 =	smov.u32 s2;
	[sflag:s4] =	ssyncpa.u1 $0x0  }
0xd: {  	p0 =	por $0x0, $0x0;
	[sflag:s7] =	ssyncpa.u1 $0x0;
	s7 =	sor.u32 $0x1, s5  }
.LBB1_4:
0xe: {  	s16 =	sshll.u32 s13, $0x3;
	s17 =	sand.u32 $0x78, s13  }
0xf: {  	s30 =	sand.u32 $0x1F800, s13;
	s12 =	sshll.u32 s12, $0x11;
	s16 =	sand.u32 $0x3C00, s16  }
0x10: {  	[tilespmem:s15+$0x810 ss:$0x81] =	vst.msk $0xffff, v2;
	s31 =	sand.u32 $0x7, s13;
	s16 =	sor.u32 s17, s16;
	s17 =	sadd.s32 s3, s30  }
0x11: {  	[tilespmem:s15+$0x1020 ss:$0x81] =	vst.msk $0xffff, v0;
	s13 =	sshll.u32 s31, $0x12;
	s12 =	sadd.s32 s12, s17;
	s16 =	sshrl.u32 s16, $0x3  }
0x12: {  	[tilespmem:s15+$0x0 ss:$0x81] =	vst.msk $0xffff, v1;
	s13 =	sor.u32 $0x400, s13;
	s12 =	sadd.s32 s16, s12  }
0x13: {  	[hbm4b:s12+s13] =	stream.strided.scatter [tilespmem:s14], [sflag:$0x2], $0x2000, s8, s13, $0x20;
	[tilespmem:$0x8080] =	vst v63  }
.LBB1_5:
0x14: {  	s14 =	sadd.s32 $0x1, s9  }
0x15: {  	s12 =	sadd.s32 $0x1000, s10;
	s16 =	smov.u32 s10;
	p2 =	sgt.s32 s14, $0x31  }
0x16: {  	s16 =	smov.u32 @p2 s12  }
0x17: {  	s14 =	simm.s32 @p2 $0x0;
	p2 =	sgt.s32 s16, $0x3FFF  }
0x18: {  	s16 =	smov.u32 @p2 s2;
	p2 =	sne.s32 s11, s7  }
.Ltmp1:
0x19: {  	p1 =	slt.u32 s11, $0x2;
	(pc) =	sbr.rel @!p2 .LBB1_6-.Ltmp1, $4  }
0x1a: {  	s15 =	simm.s32 @!p1 $0x2  }
0x1b: {  	s13 =	smov.u32 s10;
	p0 =	por !p0, !p0;
	_ =	swait.ge @!p1 [sflag:s15], $0x2000  }
0x1c: {  	s12 =	smov.u32 s9;
	[sflag:s15] =	ssyncset.done @!p1 $0x0;
	s9 =	smov.u32 s14  }
0x1d: {  	s11 =	sadd.s32 $0x1, s11;
	[sflag:s15] =	ssyncadd.s32 @!p1 $0xFFFFE000;
	s10 =	smov.u32 s16  }
.LBB1_1:
0x1e: {  	p1 =	sge.u32 s11, s5  }
0x1f: {  	s14 =	sand.u32 @!p1 $0x1FFFFFF, s9  }
0x20: {  	s15 =	smulhi.u32 @!p1 $0x4924925, s14;
	_ =	sdelay $0x1  }
0x21: {  	s15 =	smul.u32 @!p1 $0x38, s15  }
0x22: {  	s16 =	sxor.u32 @!p1 $0xFFFFFFFF, s11;
	s17 =	smul.u32 @!p1 $0x380, s10  }
0x23: {  	s31 =	sadd.s32 $0xFFFFFFFF, s11;
	s16 =	sshll.u32 @!p1 s16, $0xD;
	s14 =	ssub.s32 @!p1 s14, s15  }
0x24: {  	s15 =	sand.u32 @!p1 $0x2000, s16;
	s16 =	sadd.s32 @!p1 s6, s17;
	s14 =	sshll.u32 @!p1 s14, $0x4  }
0x25: {  	s17 =	simm.s32 @!p1 $0x1C00;
	s14 =	sadd.s32 @!p1 s14, s16;
	s16 =	simm.s32 @!p1 $0x40  }
0x26: {  	[tilespmem:s15], [sflag:$0x1] =	stream.strided.gather @!p1 [hbm4b:s14+s16], $0x2000, s17, s16, $0x38;
	[tilespmem:$0x8080] =	vst v63  }
0x27: {  	p1 =	sge.u32 s31, s5  }
.Ltmp2:
0x28: {  	_ = 	snop;
	(pc) =	sbr.rel @p1 .LBB1_5-.Ltmp2, $1  }
0x29: {  	_ =	sdelay $0x3  }
0x2a: {  	s14 =	simm.s32 $0x1  }
0x2b: {  	_ =	swait.ge [sflag:s4], $0x2000;
	s14 =	simm.s32 @!p0 $0x0  }
0x2c: {  	[sflag:s4] =	ssyncset.done $0x0;
	s15 =	sshll.u32 s14, $0xD  }
0x2d: {  	[sflag:s4] =	ssyncadd.s32 $0xFFFFE000;
	s18 =	sor.u32 $0x20, s15  }
0x2e: {  	s14 =	smul.u32 $0x8100, s14;
	v3 =	vld [tilespmem:s18+$0x10]  }
0x2f: {  	s30 =	sand.u32 $0x1, s11;
	v2 =	vld [tilespmem:s18+$0xFFFFFFF0]  }
0x30: {  	s15 =	smul.u32 $0x8100, s30;
	s14 =	sshrl.u32 s14, $0x2;
	v0 =	vld [tilespmem:s18+$0x0]  }
0x31: {  	v1 =	vld [tilespmem:s18+$0xFFFFFFE0];
	s16 =	sor.u32 $0x4000, s14  }
0x32: {  	s31 =	sshrl.u32 s15, $0x2;
	s15 =	sadd.s32 $0x0, s16  }
0x33: {  	s17 =	simm.s32 $0x4;
	s18 =	sadd.s32 $0x40, s18;
	s14 =	sor.u32 $0x4000, s31;
	[tilespmem:s15+$0x1830 ss:$0x81] =	vst.msk $0xffff, v3  }
.LBB1_3:
0x34: {  	v3 =	vld [tilespmem:s18+$0x10];
	p1 =	sne.s32 s17, $0x1FC;
	[tilespmem:s15+$0x810 ss:$0x81] =	vst.msk $0xffff, v2;
	s19 =	smov.u32 s17;
	s17 =	sadd.s32 $0x4, s17  }
.Ltmp3:
0x35: {  	v2 =	vld [tilespmem:s18+$0xFFFFFFF0];
	[tilespmem:s15+$0x1020 ss:$0x81] =	vst.msk $0xffff, v0;
	(pc) =	sbr.rel @p1 .LBB1_3-.Ltmp3, $4  }
0x36: {  	v0 =	vld [tilespmem:s18+$0x0];
	[tilespmem:s15+$0x0 ss:$0x81] =	vst.msk $0xffff, v1  }
0x37: {  	s15 =	sshra.s32 s19, $0x2;
	v1 =	vld [tilespmem:s18+$0xFFFFFFE0]  }
0x38: {  	s15 =	sadd.s32 s15, s16  }
0x39: {  	s18 =	sadd.s32 $0x40, s18;
	[tilespmem:s15+$0x1830 ss:$0x81] =	vst.msk $0xffff, v3  }
.Ltmp4:
0x3a: {  	_ = 	snop;
	(pc) =	sbr.rel .LBB1_4-.Ltmp4, $1  }
0x3b: {  	_ =	sdelay $0x3  }
.LBB1_6:
0x3c: {  	_ =	sfence.sel $0x180000  }
0x3d: {  	s2 =	simm.s32 $0x1;
	[bflag:$0x0] =	sbarrier.arrive $0xFFFF  }
0x3e: {  	s31 =	simm.s32 $0x2;
	[sflag:s2] =	ssyncpa.u1 $0x1  }
0x3f: {  	[sflag:s31] =	ssyncpa.u1 $0x1  }
0x40: {  	p0 =	sne.s32 s0, $0x0;
	_ =	strace $0x9000004D  }
0x41: {  	s0 =	sadd.s32 @!p0 $0x100000, s1;
	[bflag:$0x2] =	sbarrier.arrive $0xFFFF  }
0x42: {  	[sflag:s0] =	ssyncadd.tile.s32 @!p0 $0x1;
	_ =	shalt  }
.Lfunc_end1:
_tile_overlayer_lowered:
.L_overlay_start_2:
0x43: {  	(tag) =	ssettag $0x2  }
0x44: {  	s0 =	rddreg [dreg:$0x0];
	s2 =	stileid.u32  }
0x45: {  	s1 =	rddreg [dreg:$0x1];
	p0 =	sne.s32 s2, $0x0  }
0x46: {  	s3 =	rddreg [dreg:$0x2];
	[bflag:$0x3] =	sbarrier.arrive $0xFFFF;
	s2 =	simm.s32 @!p0 $0x1C01  }
0x47: {  	[timem:s3], [sflag:s2] =	dma.local @!p0 [hbm:s0], s1  }
0x48: {  	s0 =	simm.s32 @!p0 $0x1  }
0x49: {  	_ =	swait.ge @!p0 [sflag:s0], s1  }
0x4a: {  	s1 =	ssub.s32 @!p0 $0x0, s1;
	[sflag:s0] =	ssyncset.done @!p0 $0x0  }
0x4b: {  	[sflag:s0] =	ssyncadd.s32 @!p0 s1  }
0x4c: {  	[bflag:$0x3] =	sbarrier.arrive $0xFFFF  }
0x4d: {  	_ =	shalt  }

</sc_bundles>
